<compile_context>
chip_gen: v7x
topology: tpu7x:2x2x1
jax: 0.10.2.dev20260603
libtpu: 0.0.44.dev20260713+nightly
codegen_flags: <defaults>
</compile_context>

<pallas_src>
import functools

import jax
import jax.numpy as jnp
from jax import lax
from jax.experimental import pallas as pl
from jax.experimental.pallas import tpu as pltpu
from jax.experimental.pallas import tpu_sc as plsc

_VOCAB = 100000
_D = 128
_B = 4096
_H = 200

_NC = 2
_NS = 16
_NW = _NC * _NS
_LANES = 16
_NV = _D // _LANES

_G = 100
_GROUPS_PER_ROW = _H // _G
_ROWS_PER_W = _B // _NW
_GROUPS_PER_W = _ROWS_PER_W * _GROUPS_PER_ROW
_BLK_GROUPS = 32
_NBLK = _GROUPS_PER_W // _BLK_GROUPS
_ROWS_PER_BLK = _BLK_GROUPS // _GROUPS_PER_ROW
_NBUF = 4
_SCALE = 1.0 / _H


def _pool_body(ids_hbm, table_hbm, out_hbm, ids_v, out_v,
               buf0, buf1, buf2, buf3, sem0, sem1, sem2, sem3):
    bufs = (buf0, buf1, buf2, buf3)
    sems = (sem0, sem1, sem2, sem3)
    wid = lax.axis_index("s") * _NC + lax.axis_index("c")
    gbase = wid * _GROUPS_PER_W

    def fire(g, b):
        pltpu.make_async_copy(table_hbm.at[ids_v.at[g]], bufs[b], sems[b]).start()

    def drain(g, b):
        pltpu.make_async_copy(table_hbm.at[ids_v.at[g]], bufs[b], sems[b]).wait()

    def accum(buf, init):
        def body(r, acc):
            return tuple(acc[c] + buf[r, pl.ds(c * _LANES, _LANES)]
                         for c in range(_NV))
        return lax.fori_loop(0, _G, body, init)

    zeros = tuple(jnp.zeros((_LANES,), jnp.float32) for _ in range(_NV))

    def block_body(blk, carry):
        row0 = gbase + blk * _BLK_GROUPS
        pltpu.sync_copy(ids_hbm.at[pl.ds(row0, _BLK_GROUPS), :], ids_v)
        for b in range(_NBUF):
            fire(b, b)

        def j_body(j4, inner):
            acc = zeros
            for b in range(_NBUF):
                g = j4 * _NBUF + b
                drain(g, b)
                init = zeros if b % 2 == 0 else acc
                acc = accum(bufs[b], init)

                @pl.when(j4 < (_BLK_GROUPS // _NBUF) - 1)
                def _():
                    fire(g + _NBUF, b)

                if b % 2 == 1:
                    row = blk * _ROWS_PER_BLK + j4 * 2 + b // 2
                    for c in range(_NV):
                        out_v[row, pl.ds(c * _LANES, _LANES)] = acc[c] * _SCALE
            return inner

        lax.fori_loop(0, _BLK_GROUPS // _NBUF, j_body, 0)
        return carry

    lax.fori_loop(0, _NBLK, block_body, 0)
    pltpu.sync_copy(out_v, out_hbm.at[pl.ds(wid * _ROWS_PER_W, _ROWS_PER_W), :])


_pool = functools.partial(
    pl.kernel,
    mesh=plsc.VectorSubcoreMesh(core_axis_name="c", subcore_axis_name="s"),
    out_type=jax.ShapeDtypeStruct((_B, _D), jnp.float32),
    scratch_types=[
        pltpu.VMEM((_BLK_GROUPS, _G), jnp.int32),
        pltpu.VMEM((_ROWS_PER_W, _D), jnp.float32),
        pltpu.VMEM((_G, _D), jnp.float32),
        pltpu.VMEM((_G, _D), jnp.float32),
        pltpu.VMEM((_G, _D), jnp.float32),
        pltpu.VMEM((_G, _D), jnp.float32),
        pltpu.SemaphoreType.DMA,
        pltpu.SemaphoreType.DMA,
        pltpu.SemaphoreType.DMA,
        pltpu.SemaphoreType.DMA,
    ],
)(_pool_body)


_VT = 512


def _mm_body(w_ref, x_ref, b_ref, o_ref):
    o_ref[...] = lax.dot_general(
        w_ref[...], x_ref[...], (((1,), (1,)), ((), ())),
        preferred_element_type=jnp.float32) + b_ref[...]


def _matmul_t(x, w, bcol):
    nv = pl.cdiv(_VOCAB, _VT)
    return pl.pallas_call(
        _mm_body,
        grid=(nv,),
        in_specs=[
            pl.BlockSpec((_VT, _D), lambda j: (j, 0)),
            pl.BlockSpec((_B, _D), lambda j: (0, 0)),
            pl.BlockSpec((_VT, 1), lambda j: (j, 0)),
        ],
        out_specs=pl.BlockSpec((_VT, _B), lambda j: (j, 0)),
        out_shape=jax.ShapeDtypeStruct((_VOCAB, _B), jnp.float32),
    )(w, x, bcol)


def kernel(input_ids, emb_table, fc_w, fc_b):
    ids = input_ids.astype(jnp.int32).reshape(_B * _H // _G, _G)
    pooled = _pool(ids, emb_table)
    logits_t = _matmul_t(pooled, fc_w, fc_b.reshape(_VOCAB, 1))
    return logits_t.T

# --- scband reference (transcript-rebuilt; emitter-appended) ---
"""Pipeline reference for scband-routine-predictor-2997887173124 (READ-ONLY COPY).

The authoritative reference and input builder live on the scoring server;
editing this copy changes nothing except your own understanding.
"""

import jax, jax.numpy as jnp
import numpy as np

VOCAB = 100000
D_MODEL = 128
BATCH = 4096
HIST = 200

def setup_inputs(seed: int = 0) -> dict:
    key = jax.random.key(seed)
    k_idx, k_emb, k_w, k_b = jax.random.split(key, 4)
    input_ids = jax.random.randint(k_idx, (BATCH, HIST), 0, VOCAB, dtype=jnp.int64 if jax.config.jax_enable_x64 else jnp.int32)
    emb_table = jax.random.normal(k_emb, (VOCAB, D_MODEL), dtype=jnp.float32)
    fc_w = jax.random.normal(k_w, (VOCAB, D_MODEL), dtype=jnp.float32) * (1.0 / np.sqrt(D_MODEL))
    fc_b = jax.random.normal(k_b, (VOCAB,), dtype=jnp.float32) * 0.01
    return {"input_ids": input_ids, "emb_table": emb_table, "fc_w": fc_w, "fc_b": fc_b}

def reference(input_ids, emb_table, fc_w, fc_b):
    # embedding lookup: gather rows of table
    x = jnp.take(emb_table, input_ids, axis=0)          # [B, L, D]
    x = jnp.mean(x, axis=1)                             # [B, D]
    logits = x @ fc_w.T + fc_b                          # [B, V]
    return logits

if __name__ == "__main__":
    import jax
    _d = setup_inputs()
    print(jax.jit(kernel)(*tuple(_d.values())))

</pallas_src>

<mosaic_0001>
#map = affine_map<(d0, d1) -> (0, 0)>
module attributes {stable_mosaic.version = 14 : i64} {
  func.func @_pool_body(%arg0: i32, %arg1: i32, %arg2: memref<8192x100xi32, #tpu.memory_space<hbm>>, %arg3: memref<100000x128xf32, #tpu.memory_space<hbm>>, %arg4: memref<4096x128xf32, #tpu.memory_space<hbm>>, %arg5: memref<32x100xi32, #tpu.memory_space<vmem>>, %arg6: memref<128x128xf32, #tpu.memory_space<vmem>>, %arg7: memref<100x128xf32, #tpu.memory_space<vmem>>, %arg8: memref<100x128xf32, #tpu.memory_space<vmem>>, %arg9: memref<100x128xf32, #tpu.memory_space<vmem>>, %arg10: memref<100x128xf32, #tpu.memory_space<vmem>>, %arg11: memref<!tpu.dma_semaphore, #tpu.memory_space<semaphore_mem>>, %arg12: memref<!tpu.dma_semaphore, #tpu.memory_space<semaphore_mem>>, %arg13: memref<!tpu.dma_semaphore, #tpu.memory_space<semaphore_mem>>, %arg14: memref<!tpu.dma_semaphore, #tpu.memory_space<semaphore_mem>>) attributes {dimension_semantics = [#tpu.dimension_semantics<core_parallel>, #tpu.dimension_semantics<subcore_parallel>], iteration_bounds = array<i64: 2, 16>, scalar_prefetch = 0 : i64, scratch_operands = 10 : i64, tpu.core_type = #tpu.core_type<sc_vector_subcore>, window_params = [{transform_indices = #map}, {transform_indices = #map}, {transform_indices = #map}]} {
    %mul3A = arith.constant 2 : i32
    %mul3A_0 = arith.muli %arg1, %mul3A : i32
    %add3A = arith.addi %mul3A_0, %arg0 : i32
    %mul3A_1 = arith.constant 256 : i32
    %mul3A_2 = arith.muli %add3A, %mul3A_1 : i32
    %broadcast_in_dim3A = arith.constant 0.000000e+00 : f32
    %broadcast_in_dim3A_3 = vector.broadcast %broadcast_in_dim3A : f32 to vector<16xf32>
    %broadcast_in_dim3A_4 = arith.constant 0.000000e+00 : f32
    %broadcast_in_dim3A_5 = vector.broadcast %broadcast_in_dim3A_4 : f32 to vector<16xf32>
    %broadcast_in_dim3A_6 = arith.constant 0.000000e+00 : f32
    %broadcast_in_dim3A_7 = vector.broadcast %broadcast_in_dim3A_6 : f32 to vector<16xf32>
    %broadcast_in_dim3A_8 = arith.constant 0.000000e+00 : f32
    %broadcast_in_dim3A_9 = vector.broadcast %broadcast_in_dim3A_8 : f32 to vector<16xf32>
    %broadcast_in_dim3A_10 = arith.constant 0.000000e+00 : f32
    %broadcast_in_dim3A_11 = vector.broadcast %broadcast_in_dim3A_10 : f32 to vector<16xf32>
    %broadcast_in_dim3A_12 = arith.constant 0.000000e+00 : f32
    %broadcast_in_dim3A_13 = vector.broadcast %broadcast_in_dim3A_12 : f32 to vector<16xf32>
    %broadcast_in_dim3A_14 = arith.constant 0.000000e+00 : f32
    %broadcast_in_dim3A_15 = vector.broadcast %broadcast_in_dim3A_14 : f32 to vector<16xf32>
    %broadcast_in_dim3A_16 = arith.constant 0.000000e+00 : f32
    %broadcast_in_dim3A_17 = vector.broadcast %broadcast_in_dim3A_16 : f32 to vector<16xf32>
    %scan3A = arith.constant 0 : i32
    %scan3A_18 = arith.constant 0 : i32
    %scan3A_19 = arith.constant 8 : i32
    %scan3A_20 = arith.addi %scan3A_18, %scan3A_19 : i32
    %scan3A_21 = arith.constant 1 : i32
    scf.for %scan3A_25 = %scan3A_18 to %scan3A_20 step %scan3A_21  : i32 {
      %mul3A_26 = arith.constant 32 : i32
      %mul3A_27 = arith.muli %scan3A_25, %mul3A_26 : i32
      %add3A_28 = arith.addi %mul3A_2, %mul3A_27 : i32
      "tpu.region"() ({
        %run_scoped3A = tpu.sem_alloc : memref<!tpu.dma_semaphore, #tpu.memory_space<semaphore_mem>>
        %dma_start3A_62 = arith.constant 0 : i32
        %dma_start3A_63 = tpu.memref_slice %arg2[%add3A_28, %dma_start3A_62] : memref<8192x100xi32, #tpu.memory_space<hbm>> -> memref<32x100xi32, #tpu.memory_space<hbm>>
        %dma_start3A_64 = arith.constant 0 : i32
        %dma_start3A_65 = tpu.memref_slice %arg2[%add3A_28, %dma_start3A_64] : memref<8192x100xi32, #tpu.memory_space<hbm>> -> memref<32x100xi32, #tpu.memory_space<hbm>>
        tpu.enqueue_dma source(%dma_start3A_65 : memref<32x100xi32, #tpu.memory_space<hbm>>) target(%arg5 : memref<32x100xi32, #tpu.memory_space<vmem>>) target_semaphore(%run_scoped3A : memref<!tpu.dma_semaphore, #tpu.memory_space<semaphore_mem>>)
        %dma_wait3A = arith.constant 0 : i32
        %dma_wait3A_66 = tpu.memref_slice %arg2[%add3A_28, %dma_wait3A] : memref<8192x100xi32, #tpu.memory_space<hbm>> -> memref<32x100xi32, #tpu.memory_space<hbm>>
        %dma_wait3A_67 = arith.constant 0 : i32
        %dma_wait3A_68 = tpu.memref_slice %arg2[%add3A_28, %dma_wait3A_67] : memref<8192x100xi32, #tpu.memory_space<hbm>> -> memref<32x100xi32, #tpu.memory_space<hbm>>
        tpu.wait_dma2 semaphore(%run_scoped3A : memref<!tpu.dma_semaphore, #tpu.memory_space<semaphore_mem>>) src(%dma_wait3A_68 : memref<32x100xi32, #tpu.memory_space<hbm>>) dst(%arg5 : memref<32x100xi32, #tpu.memory_space<vmem>>)
        tpu.yield
      }) : () -> ()
      %dma_start3A = arith.constant 0 : i32
      %dma_start3A_29 = arith.constant 0 : i32
      %dma_start3A_30 = tpu.memref_slice %arg5[%dma_start3A, %dma_start3A_29] : memref<32x100xi32, #tpu.memory_space<vmem>> -> memref<1x100xi32, #tpu.memory_space<vmem>>
      %dma_start3A_31 = tpu.memref_squeeze %dma_start3A_30 : memref<1x100xi32, #tpu.memory_space<vmem>> -> memref<100xi32, #tpu.memory_space<vmem>>
      %dma_start3A_32 = arith.constant 0 : i32
      %dma_start3A_33 = arith.constant 0 : i32
      %dma_start3A_34 = tpu.memref_slice %arg3[%dma_start3A_32, %dma_start3A_33] : memref<100000x128xf32, #tpu.memory_space<hbm>> -> memref<100000x128xf32, #tpu.memory_space<hbm>>
      tpu.enqueue_indirect_dma source(%dma_start3A_34 : memref<100000x128xf32, #tpu.memory_space<hbm>>) target(%arg7 : memref<100x128xf32, #tpu.memory_space<vmem>>) offsets(%dma_start3A_31 : memref<100xi32, #tpu.memory_space<vmem>>) semaphore(%arg11 : memref<!tpu.dma_semaphore, #tpu.memory_space<semaphore_mem>>)
      %dma_start3A_35 = arith.constant 1 : i32
      %dma_start3A_36 = arith.constant 0 : i32
      %dma_start3A_37 = tpu.memref_slice %arg5[%dma_start3A_35, %dma_start3A_36] : memref<32x100xi32, #tpu.memory_space<vmem>> -> memref<1x100xi32, #tpu.memory_space<vmem>>
      %dma_start3A_38 = tpu.memref_squeeze %dma_start3A_37 : memref<1x100xi32, #tpu.memory_space<vmem>> -> memref<100xi32, #tpu.memory_space<vmem>>
      %dma_start3A_39 = arith.constant 0 : i32
      %dma_start3A_40 = arith.constant 0 : i32
      %dma_start3A_41 = tpu.memref_slice %arg3[%dma_start3A_39, %dma_start3A_40] : memref<100000x128xf32, #tpu.memory_space<hbm>> -> memref<100000x128xf32, #tpu.memory_space<hbm>>
      tpu.enqueue_indirect_dma source(%dma_start3A_41 : memref<100000x128xf32, #tpu.memory_space<hbm>>) target(%arg8 : memref<100x128xf32, #tpu.memory_space<vmem>>) offsets(%dma_start3A_38 : memref<100xi32, #tpu.memory_space<vmem>>) semaphore(%arg12 : memref<!tpu.dma_semaphore, #tpu.memory_space<semaphore_mem>>)
      %dma_start3A_42 = arith.constant 2 : i32
      %dma_start3A_43 = arith.constant 0 : i32
      %dma_start3A_44 = tpu.memref_slice %arg5[%dma_start3A_42, %dma_start3A_43] : memref<32x100xi32, #tpu.memory_space<vmem>> -> memref<1x100xi32, #tpu.memory_space<vmem>>
      %dma_start3A_45 = tpu.memref_squeeze %dma_start3A_44 : memref<1x100xi32, #tpu.memory_space<vmem>> -> memref<100xi32, #tpu.memory_space<vmem>>
      %dma_start3A_46 = arith.constant 0 : i32
      %dma_start3A_47 = arith.constant 0 : i32
      %dma_start3A_48 = tpu.memref_slice %arg3[%dma_start3A_46, %dma_start3A_47] : memref<100000x128xf32, #tpu.memory_space<hbm>> -> memref<100000x128xf32, #tpu.memory_space<hbm>>
      tpu.enqueue_indirect_dma source(%dma_start3A_48 : memref<100000x128xf32, #tpu.memory_space<hbm>>) target(%arg9 : memref<100x128xf32, #tpu.memory_space<vmem>>) offsets(%dma_start3A_45 : memref<100xi32, #tpu.memory_space<vmem>>) semaphore(%arg13 : memref<!tpu.dma_semaphore, #tpu.memory_space<semaphore_mem>>)
      %dma_start3A_49 = arith.constant 3 : i32
      %dma_start3A_50 = arith.constant 0 : i32
      %dma_start3A_51 = tpu.memref_slice %arg5[%dma_start3A_49, %dma_start3A_50] : memref<32x100xi32, #tpu.memory_space<vmem>> -> memref<1x100xi32, #tpu.memory_space<vmem>>
      %dma_start3A_52 = tpu.memref_squeeze %dma_start3A_51 : memref<1x100xi32, #tpu.memory_space<vmem>> -> memref<100xi32, #tpu.memory_space<vmem>>
      %dma_start3A_53 = arith.constant 0 : i32
      %dma_start3A_54 = arith.constant 0 : i32
      %dma_start3A_55 = tpu.memref_slice %arg3[%dma_start3A_53, %dma_start3A_54] : memref<100000x128xf32, #tpu.memory_space<hbm>> -> memref<100000x128xf32, #tpu.memory_space<hbm>>
      tpu.enqueue_indirect_dma source(%dma_start3A_55 : memref<100000x128xf32, #tpu.memory_space<hbm>>) target(%arg10 : memref<100x128xf32, #tpu.memory_space<vmem>>) offsets(%dma_start3A_52 : memref<100xi32, #tpu.memory_space<vmem>>) semaphore(%arg14 : memref<!tpu.dma_semaphore, #tpu.memory_space<semaphore_mem>>)
      %scan3A_56 = arith.constant 0 : i32
      %scan3A_57 = arith.constant 0 : i32
      %scan3A_58 = arith.constant 8 : i32
      %scan3A_59 = arith.addi %scan3A_57, %scan3A_58 : i32
      %scan3A_60 = arith.constant 1 : i32
      scf.for %scan3A_62 = %scan3A_57 to %scan3A_59 step %scan3A_60  : i32 {
        %mul3A_63 = arith.constant 4 : i32
        %mul3A_64 = arith.muli %scan3A_62, %mul3A_63 : i32
        %add3A_65 = arith.constant 0 : i32
        %add3A_66 = arith.addi %mul3A_64, %add3A_65 : i32
        %dma_wait3A = arith.constant 0 : i32
        %dma_wait3A_67 = tpu.memref_slice %arg5[%add3A_66, %dma_wait3A] : memref<32x100xi32, #tpu.memory_space<vmem>> -> memref<1x100xi32, #tpu.memory_space<vmem>>
        %dma_wait3A_68 = tpu.memref_squeeze %dma_wait3A_67 : memref<1x100xi32, #tpu.memory_space<vmem>> -> memref<100xi32, #tpu.memory_space<vmem>>
        %dma_wait3A_69 = arith.constant 0 : i32
        %dma_wait3A_70 = arith.constant 0 : i32
        %dma_wait3A_71 = tpu.memref_slice %arg3[%dma_wait3A_69, %dma_wait3A_70] : memref<100000x128xf32, #tpu.memory_space<hbm>> -> memref<100000x128xf32, #tpu.memory_space<hbm>>
        tpu.wait_indirect_dma semaphore(%arg11 : memref<!tpu.dma_semaphore, #tpu.memory_space<semaphore_mem>>) src(%dma_wait3A_71 : memref<100000x128xf32, #tpu.memory_space<hbm>>) dst(%arg7 : memref<100x128xf32, #tpu.memory_space<vmem>>)
        %scan3A_72 = arith.constant 0 : i32
        %scan3A_73 = arith.constant 100 : i32
        %scan3A_74 = arith.addi %scan3A_72, %scan3A_73 : i32
        %scan3A_75 = arith.constant 1 : i32
        %scan3A_76:8 = scf.for %scan3A_284 = %scan3A_72 to %scan3A_74 step %scan3A_75 iter_args(%scan3A_285 = %broadcast_in_dim3A_3, %scan3A_286 = %broadcast_in_dim3A_5, %scan3A_287 = %broadcast_in_dim3A_7, %scan3A_288 = %broadcast_in_dim3A_9, %scan3A_289 = %broadcast_in_dim3A_11, %scan3A_290 = %broadcast_in_dim3A_13, %scan3A_291 = %broadcast_in_dim3A_15, %scan3A_292 = %broadcast_in_dim3A_17) -> (vector<16xf32>, vector<16xf32>, vector<16xf32>, vector<16xf32>, vector<16xf32>, vector<16xf32>, vector<16xf32>, vector<16xf32>)  : i32 {
          %get3A = arith.index_cast %scan3A_284 : i32 to index
          %get3A_293 = arith.constant 0 : index
          %get3A_294 = tpu.vector_load %arg7[%get3A, %get3A_293] {strides = array<i32>} : memref<100x128xf32, #tpu.memory_space<vmem>>, vector<1x16xf32>,
          %get3A_295 = vector.shape_cast %get3A_294 : vector<1x16xf32> to vector<16xf32>
          %add3A_296 = arith.addf %scan3A_285, %get3A_295 : vector<16xf32>
          %get3A_297 = arith.index_cast %scan3A_284 : i32 to index
          %get3A_298 = arith.constant 16 : index
          %get3A_299 = tpu.vector_load %arg7[%get3A_297, %get3A_298] {strides = array<i32>} : memref<100x128xf32, #tpu.memory_space<vmem>>, vector<1x16xf32>,
          %get3A_300 = vector.shape_cast %get3A_299 : vector<1x16xf32> to vector<16xf32>
          %add3A_301 = arith.addf %scan3A_286, %get3A_300 : vector<16xf32>
          %get3A_302 = arith.index_cast %scan3A_284 : i32 to index
          %get3A_303 = arith.constant 32 : index
          %get3A_304 = tpu.vector_load %arg7[%get3A_302, %get3A_303] {strides = array<i32>} : memref<100x128xf32, #tpu.memory_space<vmem>>, vector<1x16xf32>,
          %get3A_305 = vector.shape_cast %get3A_304 : vector<1x16xf32> to vector<16xf32>
          %add3A_306 = arith.addf %scan3A_287, %get3A_305 : vector<16xf32>
          %get3A_307 = arith.index_cast %scan3A_284 : i32 to index
          %get3A_308 = arith.constant 48 : index
          %get3A_309 = tpu.vector_load %arg7[%get3A_307, %get3A_308] {strides = array<i32>} : memref<100x128xf32, #tpu.memory_space<vmem>>, vector<1x16xf32>,
          %get3A_310 = vector.shape_cast %get3A_309 : vector<1x16xf32> to vector<16xf32>
          %add3A_311 = arith.addf %scan3A_288, %get3A_310 : vector<16xf32>
          %get3A_312 = arith.index_cast %scan3A_284 : i32 to index
          %get3A_313 = arith.constant 64 : index
          %get3A_314 = tpu.vector_load %arg7[%get3A_312, %get3A_313] {strides = array<i32>} : memref<100x128xf32, #tpu.memory_space<vmem>>, vector<1x16xf32>,
          %get3A_315 = vector.shape_cast %get3A_314 : vector<1x16xf32> to vector<16xf32>
          %add3A_316 = arith.addf %scan3A_289, %get3A_315 : vector<16xf32>
          %get3A_317 = arith.index_cast %scan3A_284 : i32 to index
          %get3A_318 = arith.constant 80 : index
          %get3A_319 = tpu.vector_load %arg7[%get3A_317, %get3A_318] {strides = array<i32>} : memref<100x128xf32, #tpu.memory_space<vmem>>, vector<1x16xf32>,
          %get3A_320 = vector.shape_cast %get3A_319 : vector<1x16xf32> to vector<16xf32>
          %add3A_321 = arith.addf %scan3A_290, %get3A_320 : vector<16xf32>
          %get3A_322 = arith.index_cast %scan3A_284 : i32 to index
          %get3A_323 = arith.constant 96 : index
          %get3A_324 = tpu.vector_load %arg7[%get3A_322, %get3A_323] {strides = array<i32>} : memref<100x128xf32, #tpu.memory_space<vmem>>, vector<1x16xf32>,
          %get3A_325 = vector.shape_cast %get3A_324 : vector<1x16xf32> to vector<16xf32>
          %add3A_326 = arith.addf %scan3A_291, %get3A_325 : vector<16xf32>
          %get3A_327 = arith.index_cast %scan3A_284 : i32 to index
          %get3A_328 = arith.constant 112 : index
          %get3A_329 = tpu.vector_load %arg7[%get3A_327, %get3A_328] {strides = array<i32>} : memref<100x128xf32, #tpu.memory_space<vmem>>, vector<1x16xf32>,
          %get3A_330 = vector.shape_cast %get3A_329 : vector<1x16xf32> to vector<16xf32>
          %add3A_331 = arith.addf %scan3A_292, %get3A_330 : vector<16xf32>
          scf.yield %add3A_296, %add3A_301, %add3A_306, %add3A_311, %add3A_316, %add3A_321, %add3A_326, %add3A_331 : vector<16xf32>, vector<16xf32>, vector<16xf32>, vector<16xf32>, vector<16xf32>, vector<16xf32>, vector<16xf32>, vector<16xf32>
        }
        %scan3A_77 = arith.constant 100 : i32
        %lt3A = arith.constant 7 : i32
        %lt3A_78 = arith.cmpi slt, %scan3A_62, %lt3A : i32
        %convert_element_type3A = arith.extui %lt3A_78 : i1 to i32
        %cond3A = arith.constant 0 : i32
        %cond3A_79 = arith.cmpi ne, %convert_element_type3A, %cond3A : i32
        scf.if %cond3A_79 {
          %add3A_284 = arith.constant 4 : i32
          %add3A_285 = arith.addi %add3A_66, %add3A_284 : i32
          %dma_start3A_286 = arith.constant 0 : i32
          %dma_start3A_287 = tpu.memref_slice %arg5[%add3A_285, %dma_start3A_286] : memref<32x100xi32, #tpu.memory_space<vmem>> -> memref<1x100xi32, #tpu.memory_space<vmem>>
          %dma_start3A_288 = tpu.memref_squeeze %dma_start3A_287 : memref<1x100xi32, #tpu.memory_space<vmem>> -> memref<100xi32, #tpu.memory_space<vmem>>
          %dma_start3A_289 = arith.constant 0 : i32
          %dma_start3A_290 = arith.constant 0 : i32
          %dma_start3A_291 = tpu.memref_slice %arg3[%dma_start3A_289, %dma_start3A_290] : memref<100000x128xf32, #tpu.memory_space<hbm>> -> memref<100000x128xf32, #tpu.memory_space<hbm>>
          tpu.enqueue_indirect_dma source(%dma_start3A_291 : memref<100000x128xf32, #tpu.memory_space<hbm>>) target(%arg7 : memref<100x128xf32, #tpu.memory_space<vmem>>) offsets(%dma_start3A_288 : memref<100xi32, #tpu.memory_space<vmem>>) semaphore(%arg11 : memref<!tpu.dma_semaphore, #tpu.memory_space<semaphore_mem>>)
        } else {
        }
        %mul3A_80 = arith.constant 4 : i32
        %mul3A_81 = arith.muli %scan3A_62, %mul3A_80 : i32
        %add3A_82 = arith.constant 1 : i32
        %add3A_83 = arith.addi %mul3A_81, %add3A_82 : i32
        %dma_wait3A_84 = arith.constant 0 : i32
        %dma_wait3A_85 = tpu.memref_slice %arg5[%add3A_83, %dma_wait3A_84] : memref<32x100xi32, #tpu.memory_space<vmem>> -> memref<1x100xi32, #tpu.memory_space<vmem>>
        %dma_wait3A_86 = tpu.memref_squeeze %dma_wait3A_85 : memref<1x100xi32, #tpu.memory_space<vmem>> -> memref<100xi32, #tpu.memory_space<vmem>>
        %dma_wait3A_87 = arith.constant 0 : i32
        %dma_wait3A_88 = arith.constant 0 : i32
        %dma_wait3A_89 = tpu.memref_slice %arg3[%dma_wait3A_87, %dma_wait3A_88] : memref<100000x128xf32, #tpu.memory_space<hbm>> -> memref<100000x128xf32, #tpu.memory_space<hbm>>
        tpu.wait_indirect_dma semaphore(%arg12 : memref<!tpu.dma_semaphore, #tpu.memory_space<semaphore_mem>>) src(%dma_wait3A_89 : memref<100000x128xf32, #tpu.memory_space<hbm>>) dst(%arg8 : memref<100x128xf32, #tpu.memory_space<vmem>>)
        %scan3A_90 = arith.constant 0 : i32
        %scan3A_91 = arith.constant 100 : i32
        %scan3A_92 = arith.addi %scan3A_90, %scan3A_91 : i32
        %scan3A_93 = arith.constant 1 : i32
        %scan3A_94:8 = scf.for %scan3A_284 = %scan3A_90 to %scan3A_92 step %scan3A_93 iter_args(%scan3A_285 = %scan3A_76#0, %scan3A_286 = %scan3A_76#1, %scan3A_287 = %scan3A_76#2, %scan3A_288 = %scan3A_76#3, %scan3A_289 = %scan3A_76#4, %scan3A_290 = %scan3A_76#5, %scan3A_291 = %scan3A_76#6, %scan3A_292 = %scan3A_76#7) -> (vector<16xf32>, vector<16xf32>, vector<16xf32>, vector<16xf32>, vector<16xf32>, vector<16xf32>, vector<16xf32>, vector<16xf32>)  : i32 {
          %get3A = arith.index_cast %scan3A_284 : i32 to index
          %get3A_293 = arith.constant 0 : index
          %get3A_294 = tpu.vector_load %arg8[%get3A, %get3A_293] {strides = array<i32>} : memref<100x128xf32, #tpu.memory_space<vmem>>, vector<1x16xf32>,
          %get3A_295 = vector.shape_cast %get3A_294 : vector<1x16xf32> to vector<16xf32>
          %add3A_296 = arith.addf %scan3A_285, %get3A_295 : vector<16xf32>
          %get3A_297 = arith.index_cast %scan3A_284 : i32 to index
          %get3A_298 = arith.constant 16 : index
          %get3A_299 = tpu.vector_load %arg8[%get3A_297, %get3A_298] {strides = array<i32>} : memref<100x128xf32, #tpu.memory_space<vmem>>, vector<1x16xf32>,
          %get3A_300 = vector.shape_cast %get3A_299 : vector<1x16xf32> to vector<16xf32>
          %add3A_301 = arith.addf %scan3A_286, %get3A_300 : vector<16xf32>
          %get3A_302 = arith.index_cast %scan3A_284 : i32 to index
          %get3A_303 = arith.constant 32 : index
          %get3A_304 = tpu.vector_load %arg8[%get3A_302, %get3A_303] {strides = array<i32>} : memref<100x128xf32, #tpu.memory_space<vmem>>, vector<1x16xf32>,
          %get3A_305 = vector.shape_cast %get3A_304 : vector<1x16xf32> to vector<16xf32>
          %add3A_306 = arith.addf %scan3A_287, %get3A_305 : vector<16xf32>
          %get3A_307 = arith.index_cast %scan3A_284 : i32 to index
          %get3A_308 = arith.constant 48 : index
          %get3A_309 = tpu.vector_load %arg8[%get3A_307, %get3A_308] {strides = array<i32>} : memref<100x128xf32, #tpu.memory_space<vmem>>, vector<1x16xf32>,
          %get3A_310 = vector.shape_cast %get3A_309 : vector<1x16xf32> to vector<16xf32>
          %add3A_311 = arith.addf %scan3A_288, %get3A_310 : vector<16xf32>
          %get3A_312 = arith.index_cast %scan3A_284 : i32 to index
          %get3A_313 = arith.constant 64 : index
          %get3A_314 = tpu.vector_load %arg8[%get3A_312, %get3A_313] {strides = array<i32>} : memref<100x128xf32, #tpu.memory_space<vmem>>, vector<1x16xf32>,
          %get3A_315 = vector.shape_cast %get3A_314 : vector<1x16xf32> to vector<16xf32>
          %add3A_316 = arith.addf %scan3A_289, %get3A_315 : vector<16xf32>
          %get3A_317 = arith.index_cast %scan3A_284 : i32 to index
          %get3A_318 = arith.constant 80 : index
          %get3A_319 = tpu.vector_load %arg8[%get3A_317, %get3A_318] {strides = array<i32>} : memref<100x128xf32, #tpu.memory_space<vmem>>, vector<1x16xf32>,
          %get3A_320 = vector.shape_cast %get3A_319 : vector<1x16xf32> to vector<16xf32>
          %add3A_321 = arith.addf %scan3A_290, %get3A_320 : vector<16xf32>
          %get3A_322 = arith.index_cast %scan3A_284 : i32 to index
          %get3A_323 = arith.constant 96 : index
          %get3A_324 = tpu.vector_load %arg8[%get3A_322, %get3A_323] {strides = array<i32>} : memref<100x128xf32, #tpu.memory_space<vmem>>, vector<1x16xf32>,
          %get3A_325 = vector.shape_cast %get3A_324 : vector<1x16xf32> to vector<16xf32>
          %add3A_326 = arith.addf %scan3A_291, %get3A_325 : vector<16xf32>
          %get3A_327 = arith.index_cast %scan3A_284 : i32 to index
          %get3A_328 = arith.constant 112 : index
          %get3A_329 = tpu.vector_load %arg8[%get3A_327, %get3A_328] {strides = array<i32>} : memref<100x128xf32, #tpu.memory_space<vmem>>, vector<1x16xf32>,
          %get3A_330 = vector.shape_cast %get3A_329 : vector<1x16xf32> to vector<16xf32>
          %add3A_331 = arith.addf %scan3A_292, %get3A_330 : vector<16xf32>
          scf.yield %add3A_296, %add3A_301, %add3A_306, %add3A_311, %add3A_316, %add3A_321, %add3A_326, %add3A_331 : vector<16xf32>, vector<16xf32>, vector<16xf32>, vector<16xf32>, vector<16xf32>, vector<16xf32>, vector<16xf32>, vector<16xf32>
        }
        %scan3A_95 = arith.constant 100 : i32
        %lt3A_96 = arith.constant 7 : i32
        %lt3A_97 = arith.cmpi slt, %scan3A_62, %lt3A_96 : i32
        %convert_element_type3A_98 = arith.extui %lt3A_97 : i1 to i32
        %cond3A_99 = arith.constant 0 : i32
        %cond3A_100 = arith.cmpi ne, %convert_element_type3A_98, %cond3A_99 : i32
        scf.if %cond3A_100 {
          %add3A_284 = arith.constant 4 : i32
          %add3A_285 = arith.addi %add3A_83, %add3A_284 : i32
          %dma_start3A_286 = arith.constant 0 : i32
          %dma_start3A_287 = tpu.memref_slice %arg5[%add3A_285, %dma_start3A_286] : memref<32x100xi32, #tpu.memory_space<vmem>> -> memref<1x100xi32, #tpu.memory_space<vmem>>
          %dma_start3A_288 = tpu.memref_squeeze %dma_start3A_287 : memref<1x100xi32, #tpu.memory_space<vmem>> -> memref<100xi32, #tpu.memory_space<vmem>>
          %dma_start3A_289 = arith.constant 0 : i32
          %dma_start3A_290 = arith.constant 0 : i32
          %dma_start3A_291 = tpu.memref_slice %arg3[%dma_start3A_289, %dma_start3A_290] : memref<100000x128xf32, #tpu.memory_space<hbm>> -> memref<100000x128xf32, #tpu.memory_space<hbm>>
          tpu.enqueue_indirect_dma source(%dma_start3A_291 : memref<100000x128xf32, #tpu.memory_space<hbm>>) target(%arg8 : memref<100x128xf32, #tpu.memory_space<vmem>>) offsets(%dma_start3A_288 : memref<100xi32, #tpu.memory_space<vmem>>) semaphore(%arg12 : memref<!tpu.dma_semaphore, #tpu.memory_space<semaphore_mem>>)
        } else {
        }
        %mul3A_101 = arith.constant 16 : i32
        %mul3A_102 = arith.muli %scan3A_25, %mul3A_101 : i32
        %mul3A_103 = arith.constant 2 : i32
        %mul3A_104 = arith.muli %scan3A_62, %mul3A_103 : i32
        %add3A_105 = arith.addi %mul3A_102, %mul3A_104 : i32
        %add3A_106 = arith.constant 0 : i32
        %add3A_107 = arith.addi %add3A_105, %add3A_106 : i32
        %mul3A_108 = arith.constant 5.000000e-03 : f32
        %mul3A_109 = vector.broadcast %mul3A_108 : f32 to vector<16xf32>
        %mul3A_110 = arith.mulf %scan3A_94#0, %mul3A_109 : vector<16xf32>
        %swap3A = arith.index_cast %add3A_107 : i32 to index
        %swap3A_111 = arith.constant 0 : index
        %swap3A_112 = tpu.vector_load %arg6[%swap3A, %swap3A_111] {strides = array<i32>} : memref<128x128xf32, #tpu.memory_space<vmem>>, vector<1x16xf32>,
        %swap3A_113 = vector.shape_cast %swap3A_112 : vector<1x16xf32> to vector<16xf32>
        %swap3A_114 = vector.shape_cast %mul3A_110 : vector<16xf32> to vector<1x16xf32>
        tpu.vector_store %arg6[%swap3A, %swap3A_111], %swap3A_114 {strides = array<i32>} : memref<128x128xf32, #tpu.memory_space<vmem>>, vector<1x16xf32>,
        %mul3A_115 = arith.constant 5.000000e-03 : f32
        %mul3A_116 = vector.broadcast %mul3A_115 : f32 to vector<16xf32>
        %mul3A_117 = arith.mulf %scan3A_94#1, %mul3A_116 : vector<16xf32>
        %swap3A_118 = arith.index_cast %add3A_107 : i32 to index
        %swap3A_119 = arith.constant 16 : index
        %swap3A_120 = tpu.vector_load %arg6[%swap3A_118, %swap3A_119] {strides = array<i32>} : memref<128x128xf32, #tpu.memory_space<vmem>>, vector<1x16xf32>,
        %swap3A_121 = vector.shape_cast %swap3A_120 : vector<1x16xf32> to vector<16xf32>
        %swap3A_122 = vector.shape_cast %mul3A_117 : vector<16xf32> to vector<1x16xf32>
        tpu.vector_store %arg6[%swap3A_118, %swap3A_119], %swap3A_122 {strides = array<i32>} : memref<128x128xf32, #tpu.memory_space<vmem>>, vector<1x16xf32>,
        %mul3A_123 = arith.constant 5.000000e-03 : f32
        %mul3A_124 = vector.broadcast %mul3A_123 : f32 to vector<16xf32>
        %mul3A_125 = arith.mulf %scan3A_94#2, %mul3A_124 : vector<16xf32>
        %swap3A_126 = arith.index_cast %add3A_107 : i32 to index
        %swap3A_127 = arith.constant 32 : index
        %swap3A_128 = tpu.vector_load %arg6[%swap3A_126, %swap3A_127] {strides = array<i32>} : memref<128x128xf32, #tpu.memory_space<vmem>>, vector<1x16xf32>,
        %swap3A_129 = vector.shape_cast %swap3A_128 : vector<1x16xf32> to vector<16xf32>
        %swap3A_130 = vector.shape_cast %mul3A_125 : vector<16xf32> to vector<1x16xf32>
        tpu.vector_store %arg6[%swap3A_126, %swap3A_127], %swap3A_130 {strides = array<i32>} : memref<128x128xf32, #tpu.memory_space<vmem>>, vector<1x16xf32>,
        %mul3A_131 = arith.constant 5.000000e-03 : f32
        %mul3A_132 = vector.broadcast %mul3A_131 : f32 to vector<16xf32>
        %mul3A_133 = arith.mulf %scan3A_94#3, %mul3A_132 : vector<16xf32>
        %swap3A_134 = arith.index_cast %add3A_107 : i32 to index
        %swap3A_135 = arith.constant 48 : index
        %swap3A_136 = tpu.vector_load %arg6[%swap3A_134, %swap3A_135] {strides = array<i32>} : memref<128x128xf32, #tpu.memory_space<vmem>>, vector<1x16xf32>,
        %swap3A_137 = vector.shape_cast %swap3A_136 : vector<1x16xf32> to vector<16xf32>
        %swap3A_138 = vector.shape_cast %mul3A_133 : vector<16xf32> to vector<1x16xf32>
        tpu.vector_store %arg6[%swap3A_134, %swap3A_135], %swap3A_138 {strides = array<i32>} : memref<128x128xf32, #tpu.memory_space<vmem>>, vector<1x16xf32>,
        %mul3A_139 = arith.constant 5.000000e-03 : f32
        %mul3A_140 = vector.broadcast %mul3A_139 : f32 to vector<16xf32>
        %mul3A_141 = arith.mulf %scan3A_94#4, %mul3A_140 : vector<16xf32>
        %swap3A_142 = arith.index_cast %add3A_107 : i32 to index
        %swap3A_143 = arith.constant 64 : index
        %swap3A_144 = tpu.vector_load %arg6[%swap3A_142, %swap3A_143] {strides = array<i32>} : memref<128x128xf32, #tpu.memory_space<vmem>>, vector<1x16xf32>,
        %swap3A_145 = vector.shape_cast %swap3A_144 : vector<1x16xf32> to vector<16xf32>
        %swap3A_146 = vector.shape_cast %mul3A_141 : vector<16xf32> to vector<1x16xf32>
        tpu.vector_store %arg6[%swap3A_142, %swap3A_143], %swap3A_146 {strides = array<i32>} : memref<128x128xf32, #tpu.memory_space<vmem>>, vector<1x16xf32>,
        %mul3A_147 = arith.constant 5.000000e-03 : f32
        %mul3A_148 = vector.broadcast %mul3A_147 : f32 to vector<16xf32>
        %mul3A_149 = arith.mulf %scan3A_94#5, %mul3A_148 : vector<16xf32>
        %swap3A_150 = arith.index_cast %add3A_107 : i32 to index
        %swap3A_151 = arith.constant 80 : index
        %swap3A_152 = tpu.vector_load %arg6[%swap3A_150, %swap3A_151] {strides = array<i32>} : memref<128x128xf32, #tpu.memory_space<vmem>>, vector<1x16xf32>,
        %swap3A_153 = vector.shape_cast %swap3A_152 : vector<1x16xf32> to vector<16xf32>
        %swap3A_154 = vector.shape_cast %mul3A_149 : vector<16xf32> to vector<1x16xf32>
        tpu.vector_store %arg6[%swap3A_150, %swap3A_151], %swap3A_154 {strides = array<i32>} : memref<128x128xf32, #tpu.memory_space<vmem>>, vector<1x16xf32>,
        %mul3A_155 = arith.constant 5.000000e-03 : f32
        %mul3A_156 = vector.broadcast %mul3A_155 : f32 to vector<16xf32>
        %mul3A_157 = arith.mulf %scan3A_94#6, %mul3A_156 : vector<16xf32>
        %swap3A_158 = arith.index_cast %add3A_107 : i32 to index
        %swap3A_159 = arith.constant 96 : index
        %swap3A_160 = tpu.vector_load %arg6[%swap3A_158, %swap3A_159] {strides = array<i32>} : memref<128x128xf32, #tpu.memory_space<vmem>>, vector<1x16xf32>,
        %swap3A_161 = vector.shape_cast %swap3A_160 : vector<1x16xf32> to vector<16xf32>
        %swap3A_162 = vector.shape_cast %mul3A_157 : vector<16xf32> to vector<1x16xf32>
        tpu.vector_store %arg6[%swap3A_158, %swap3A_159], %swap3A_162 {strides = array<i32>} : memref<128x128xf32, #tpu.memory_space<vmem>>, vector<1x16xf32>,
        %mul3A_163 = arith.constant 5.000000e-03 : f32
        %mul3A_164 = vector.broadcast %mul3A_163 : f32 to vector<16xf32>
        %mul3A_165 = arith.mulf %scan3A_94#7, %mul3A_164 : vector<16xf32>
        %swap3A_166 = arith.index_cast %add3A_107 : i32 to index
        %swap3A_167 = arith.constant 112 : index
        %swap3A_168 = tpu.vector_load %arg6[%swap3A_166, %swap3A_167] {strides = array<i32>} : memref<128x128xf32, #tpu.memory_space<vmem>>, vector<1x16xf32>,
        %swap3A_169 = vector.shape_cast %swap3A_168 : vector<1x16xf32> to vector<16xf32>
        %swap3A_170 = vector.shape_cast %mul3A_165 : vector<16xf32> to vector<1x16xf32>
        tpu.vector_store %arg6[%swap3A_166, %swap3A_167], %swap3A_170 {strides = array<i32>} : memref<128x128xf32, #tpu.memory_space<vmem>>, vector<1x16xf32>,
        %mul3A_171 = arith.constant 4 : i32
        %mul3A_172 = arith.muli %scan3A_62, %mul3A_171 : i32
        %add3A_173 = arith.constant 2 : i32
        %add3A_174 = arith.addi %mul3A_172, %add3A_173 : i32
        %dma_wait3A_175 = arith.constant 0 : i32
        %dma_wait3A_176 = tpu.memref_slice %arg5[%add3A_174, %dma_wait3A_175] : memref<32x100xi32, #tpu.memory_space<vmem>> -> memref<1x100xi32, #tpu.memory_space<vmem>>
        %dma_wait3A_177 = tpu.memref_squeeze %dma_wait3A_176 : memref<1x100xi32, #tpu.memory_space<vmem>> -> memref<100xi32, #tpu.memory_space<vmem>>
        %dma_wait3A_178 = arith.constant 0 : i32
        %dma_wait3A_179 = arith.constant 0 : i32
        %dma_wait3A_180 = tpu.memref_slice %arg3[%dma_wait3A_178, %dma_wait3A_179] : memref<100000x128xf32, #tpu.memory_space<hbm>> -> memref<100000x128xf32, #tpu.memory_space<hbm>>
        tpu.wait_indirect_dma semaphore(%arg13 : memref<!tpu.dma_semaphore, #tpu.memory_space<semaphore_mem>>) src(%dma_wait3A_180 : memref<100000x128xf32, #tpu.memory_space<hbm>>) dst(%arg9 : memref<100x128xf32, #tpu.memory_space<vmem>>)
        %scan3A_181 = arith.constant 0 : i32
        %scan3A_182 = arith.constant 100 : i32
        %scan3A_183 = arith.addi %scan3A_181, %scan3A_182 : i32
        %scan3A_184 = arith.constant 1 : i32
        %scan3A_185:8 = scf.for %scan3A_284 = %scan3A_181 to %scan3A_183 step %scan3A_184 iter_args(%scan3A_285 = %broadcast_in_dim3A_3, %scan3A_286 = %broadcast_in_dim3A_5, %scan3A_287 = %broadcast_in_dim3A_7, %scan3A_288 = %broadcast_in_dim3A_9, %scan3A_289 = %broadcast_in_dim3A_11, %scan3A_290 = %broadcast_in_dim3A_13, %scan3A_291 = %broadcast_in_dim3A_15, %scan3A_292 = %broadcast_in_dim3A_17) -> (vector<16xf32>, vector<16xf32>, vector<16xf32>, vector<16xf32>, vector<16xf32>, vector<16xf32>, vector<16xf32>, vector<16xf32>)  : i32 {
          %get3A = arith.index_cast %scan3A_284 : i32 to index
          %get3A_293 = arith.constant 0 : index
          %get3A_294 = tpu.vector_load %arg9[%get3A, %get3A_293] {strides = array<i32>} : memref<100x128xf32, #tpu.memory_space<vmem>>, vector<1x16xf32>,
          %get3A_295 = vector.shape_cast %get3A_294 : vector<1x16xf32> to vector<16xf32>
          %add3A_296 = arith.addf %scan3A_285, %get3A_295 : vector<16xf32>
          %get3A_297 = arith.index_cast %scan3A_284 : i32 to index
          %get3A_298 = arith.constant 16 : index
          %get3A_299 = tpu.vector_load %arg9[%get3A_297, %get3A_298] {strides = array<i32>} : memref<100x128xf32, #tpu.memory_space<vmem>>, vector<1x16xf32>,
          %get3A_300 = vector.shape_cast %get3A_299 : vector<1x16xf32> to vector<16xf32>
          %add3A_301 = arith.addf %scan3A_286, %get3A_300 : vector<16xf32>
          %get3A_302 = arith.index_cast %scan3A_284 : i32 to index
          %get3A_303 = arith.constant 32 : index
          %get3A_304 = tpu.vector_load %arg9[%get3A_302, %get3A_303] {strides = array<i32>} : memref<100x128xf32, #tpu.memory_space<vmem>>, vector<1x16xf32>,
          %get3A_305 = vector.shape_cast %get3A_304 : vector<1x16xf32> to vector<16xf32>
          %add3A_306 = arith.addf %scan3A_287, %get3A_305 : vector<16xf32>
          %get3A_307 = arith.index_cast %scan3A_284 : i32 to index
          %get3A_308 = arith.constant 48 : index
          %get3A_309 = tpu.vector_load %arg9[%get3A_307, %get3A_308] {strides = array<i32>} : memref<100x128xf32, #tpu.memory_space<vmem>>, vector<1x16xf32>,
          %get3A_310 = vector.shape_cast %get3A_309 : vector<1x16xf32> to vector<16xf32>
          %add3A_311 = arith.addf %scan3A_288, %get3A_310 : vector<16xf32>
          %get3A_312 = arith.index_cast %scan3A_284 : i32 to index
          %get3A_313 = arith.constant 64 : index
          %get3A_314 = tpu.vector_load %arg9[%get3A_312, %get3A_313] {strides = array<i32>} : memref<100x128xf32, #tpu.memory_space<vmem>>, vector<1x16xf32>,
          %get3A_315 = vector.shape_cast %get3A_314 : vector<1x16xf32> to vector<16xf32>
          %add3A_316 = arith.addf %scan3A_289, %get3A_315 : vector<16xf32>
          %get3A_317 = arith.index_cast %scan3A_284 : i32 to index
          %get3A_318 = arith.constant 80 : index
          %get3A_319 = tpu.vector_load %arg9[%get3A_317, %get3A_318] {strides = array<i32>} : memref<100x128xf32, #tpu.memory_space<vmem>>, vector<1x16xf32>,
          %get3A_320 = vector.shape_cast %get3A_319 : vector<1x16xf32> to vector<16xf32>
          %add3A_321 = arith.addf %scan3A_290, %get3A_320 : vector<16xf32>
          %get3A_322 = arith.index_cast %scan3A_284 : i32 to index
          %get3A_323 = arith.constant 96 : index
          %get3A_324 = tpu.vector_load %arg9[%get3A_322, %get3A_323] {strides = array<i32>} : memref<100x128xf32, #tpu.memory_space<vmem>>, vector<1x16xf32>,
          %get3A_325 = vector.shape_cast %get3A_324 : vector<1x16xf32> to vector<16xf32>
          %add3A_326 = arith.addf %scan3A_291, %get3A_325 : vector<16xf32>
          %get3A_327 = arith.index_cast %scan3A_284 : i32 to index
          %get3A_328 = arith.constant 112 : index
          %get3A_329 = tpu.vector_load %arg9[%get3A_327, %get3A_328] {strides = array<i32>} : memref<100x128xf32, #tpu.memory_space<vmem>>, vector<1x16xf32>,
          %get3A_330 = vector.shape_cast %get3A_329 : vector<1x16xf32> to vector<16xf32>
          %add3A_331 = arith.addf %scan3A_292, %get3A_330 : vector<16xf32>
          scf.yield %add3A_296, %add3A_301, %add3A_306, %add3A_311, %add3A_316, %add3A_321, %add3A_326, %add3A_331 : vector<16xf32>, vector<16xf32>, vector<16xf32>, vector<16xf32>, vector<16xf32>, vector<16xf32>, vector<16xf32>, vector<16xf32>
        }
        %scan3A_186 = arith.constant 100 : i32
        %lt3A_187 = arith.constant 7 : i32
        %lt3A_188 = arith.cmpi slt, %scan3A_62, %lt3A_187 : i32
        %convert_element_type3A_189 = arith.extui %lt3A_188 : i1 to i32
        %cond3A_190 = arith.constant 0 : i32
        %cond3A_191 = arith.cmpi ne, %convert_element_type3A_189, %cond3A_190 : i32
        scf.if %cond3A_191 {
          %add3A_284 = arith.constant 4 : i32
          %add3A_285 = arith.addi %add3A_174, %add3A_284 : i32
          %dma_start3A_286 = arith.constant 0 : i32
          %dma_start3A_287 = tpu.memref_slice %arg5[%add3A_285, %dma_start3A_286] : memref<32x100xi32, #tpu.memory_space<vmem>> -> memref<1x100xi32, #tpu.memory_space<vmem>>
          %dma_start3A_288 = tpu.memref_squeeze %dma_start3A_287 : memref<1x100xi32, #tpu.memory_space<vmem>> -> memref<100xi32, #tpu.memory_space<vmem>>
          %dma_start3A_289 = arith.constant 0 : i32
          %dma_start3A_290 = arith.constant 0 : i32
          %dma_start3A_291 = tpu.memref_slice %arg3[%dma_start3A_289, %dma_start3A_290] : memref<100000x128xf32, #tpu.memory_space<hbm>> -> memref<100000x128xf32, #tpu.memory_space<hbm>>
          tpu.enqueue_indirect_dma source(%dma_start3A_291 : memref<100000x128xf32, #tpu.memory_space<hbm>>) target(%arg9 : memref<100x128xf32, #tpu.memory_space<vmem>>) offsets(%dma_start3A_288 : memref<100xi32, #tpu.memory_space<vmem>>) semaphore(%arg13 : memref<!tpu.dma_semaphore, #tpu.memory_space<semaphore_mem>>)
        } else {
        }
        %mul3A_192 = arith.constant 4 : i32
        %mul3A_193 = arith.muli %scan3A_62, %mul3A_192 : i32
        %add3A_194 = arith.constant 3 : i32
        %add3A_195 = arith.addi %mul3A_193, %add3A_194 : i32
        %dma_wait3A_196 = arith.constant 0 : i32
        %dma_wait3A_197 = tpu.memref_slice %arg5[%add3A_195, %dma_wait3A_196] : memref<32x100xi32, #tpu.memory_space<vmem>> -> memref<1x100xi32, #tpu.memory_space<vmem>>
        %dma_wait3A_198 = tpu.memref_squeeze %dma_wait3A_197 : memref<1x100xi32, #tpu.memory_space<vmem>> -> memref<100xi32, #tpu.memory_space<vmem>>
        %dma_wait3A_199 = arith.constant 0 : i32
        %dma_wait3A_200 = arith.constant 0 : i32
        %dma_wait3A_201 = tpu.memref_slice %arg3[%dma_wait3A_199, %dma_wait3A_200] : memref<100000x128xf32, #tpu.memory_space<hbm>> -> memref<100000x128xf32, #tpu.memory_space<hbm>>
        tpu.wait_indirect_dma semaphore(%arg14 : memref<!tpu.dma_semaphore, #tpu.memory_space<semaphore_mem>>) src(%dma_wait3A_201 : memref<100000x128xf32, #tpu.memory_space<hbm>>) dst(%arg10 : memref<100x128xf32, #tpu.memory_space<vmem>>)
        %scan3A_202 = arith.constant 0 : i32
        %scan3A_203 = arith.constant 100 : i32
        %scan3A_204 = arith.addi %scan3A_202, %scan3A_203 : i32
        %scan3A_205 = arith.constant 1 : i32
        %scan3A_206:8 = scf.for %scan3A_284 = %scan3A_202 to %scan3A_204 step %scan3A_205 iter_args(%scan3A_285 = %scan3A_185#0, %scan3A_286 = %scan3A_185#1, %scan3A_287 = %scan3A_185#2, %scan3A_288 = %scan3A_185#3, %scan3A_289 = %scan3A_185#4, %scan3A_290 = %scan3A_185#5, %scan3A_291 = %scan3A_185#6, %scan3A_292 = %scan3A_185#7) -> (vector<16xf32>, vector<16xf32>, vector<16xf32>, vector<16xf32>, vector<16xf32>, vector<16xf32>, vector<16xf32>, vector<16xf32>)  : i32 {
          %get3A = arith.index_cast %scan3A_284 : i32 to index
          %get3A_293 = arith.constant 0 : index
          %get3A_294 = tpu.vector_load %arg10[%get3A, %get3A_293] {strides = array<i32>} : memref<100x128xf32, #tpu.memory_space<vmem>>, vector<1x16xf32>,
          %get3A_295 = vector.shape_cast %get3A_294 : vector<1x16xf32> to vector<16xf32>
          %add3A_296 = arith.addf %scan3A_285, %get3A_295 : vector<16xf32>
          %get3A_297 = arith.index_cast %scan3A_284 : i32 to index
          %get3A_298 = arith.constant 16 : index
          %get3A_299 = tpu.vector_load %arg10[%get3A_297, %get3A_298] {strides = array<i32>} : memref<100x128xf32, #tpu.memory_space<vmem>>, vector<1x16xf32>,
          %get3A_300 = vector.shape_cast %get3A_299 : vector<1x16xf32> to vector<16xf32>
          %add3A_301 = arith.addf %scan3A_286, %get3A_300 : vector<16xf32>
          %get3A_302 = arith.index_cast %scan3A_284 : i32 to index
          %get3A_303 = arith.constant 32 : index
          %get3A_304 = tpu.vector_load %arg10[%get3A_302, %get3A_303] {strides = array<i32>} : memref<100x128xf32, #tpu.memory_space<vmem>>, vector<1x16xf32>,
          %get3A_305 = vector.shape_cast %get3A_304 : vector<1x16xf32> to vector<16xf32>
          %add3A_306 = arith.addf %scan3A_287, %get3A_305 : vector<16xf32>
          %get3A_307 = arith.index_cast %scan3A_284 : i32 to index
          %get3A_308 = arith.constant 48 : index
          %get3A_309 = tpu.vector_load %arg10[%get3A_307, %get3A_308] {strides = array<i32>} : memref<100x128xf32, #tpu.memory_space<vmem>>, vector<1x16xf32>,
          %get3A_310 = vector.shape_cast %get3A_309 : vector<1x16xf32> to vector<16xf32>
          %add3A_311 = arith.addf %scan3A_288, %get3A_310 : vector<16xf32>
          %get3A_312 = arith.index_cast %scan3A_284 : i32 to index
          %get3A_313 = arith.constant 64 : index
          %get3A_314 = tpu.vector_load %arg10[%get3A_312, %get3A_313] {strides = array<i32>} : memref<100x128xf32, #tpu.memory_space<vmem>>, vector<1x16xf32>,
          %get3A_315 = vector.shape_cast %get3A_314 : vector<1x16xf32> to vector<16xf32>
          %add3A_316 = arith.addf %scan3A_289, %get3A_315 : vector<16xf32>
          %get3A_317 = arith.index_cast %scan3A_284 : i32 to index
          %get3A_318 = arith.constant 80 : index
          %get3A_319 = tpu.vector_load %arg10[%get3A_317, %get3A_318] {strides = array<i32>} : memref<100x128xf32, #tpu.memory_space<vmem>>, vector<1x16xf32>,
          %get3A_320 = vector.shape_cast %get3A_319 : vector<1x16xf32> to vector<16xf32>
          %add3A_321 = arith.addf %scan3A_290, %get3A_320 : vector<16xf32>
          %get3A_322 = arith.index_cast %scan3A_284 : i32 to index
          %get3A_323 = arith.constant 96 : index
          %get3A_324 = tpu.vector_load %arg10[%get3A_322, %get3A_323] {strides = array<i32>} : memref<100x128xf32, #tpu.memory_space<vmem>>, vector<1x16xf32>,
          %get3A_325 = vector.shape_cast %get3A_324 : vector<1x16xf32> to vector<16xf32>
          %add3A_326 = arith.addf %scan3A_291, %get3A_325 : vector<16xf32>
          %get3A_327 = arith.index_cast %scan3A_284 : i32 to index
          %get3A_328 = arith.constant 112 : index
          %get3A_329 = tpu.vector_load %arg10[%get3A_327, %get3A_328] {strides = array<i32>} : memref<100x128xf32, #tpu.memory_space<vmem>>, vector<1x16xf32>,
          %get3A_330 = vector.shape_cast %get3A_329 : vector<1x16xf32> to vector<16xf32>
          %add3A_331 = arith.addf %scan3A_292, %get3A_330 : vector<16xf32>
          scf.yield %add3A_296, %add3A_301, %add3A_306, %add3A_311, %add3A_316, %add3A_321, %add3A_326, %add3A_331 : vector<16xf32>, vector<16xf32>, vector<16xf32>, vector<16xf32>, vector<16xf32>, vector<16xf32>, vector<16xf32>, vector<16xf32>
        }
        %scan3A_207 = arith.constant 100 : i32
        %lt3A_208 = arith.constant 7 : i32
        %lt3A_209 = arith.cmpi slt, %scan3A_62, %lt3A_208 : i32
        %convert_element_type3A_210 = arith.extui %lt3A_209 : i1 to i32
        %cond3A_211 = arith.constant 0 : i32
        %cond3A_212 = arith.cmpi ne, %convert_element_type3A_210, %cond3A_211 : i32
        scf.if %cond3A_212 {
          %add3A_284 = arith.constant 4 : i32
          %add3A_285 = arith.addi %add3A_195, %add3A_284 : i32
          %dma_start3A_286 = arith.constant 0 : i32
          %dma_start3A_287 = tpu.memref_slice %arg5[%add3A_285, %dma_start3A_286] : memref<32x100xi32, #tpu.memory_space<vmem>> -> memref<1x100xi32, #tpu.memory_space<vmem>>
          %dma_start3A_288 = tpu.memref_squeeze %dma_start3A_287 : memref<1x100xi32, #tpu.memory_space<vmem>> -> memref<100xi32, #tpu.memory_space<vmem>>
          %dma_start3A_289 = arith.constant 0 : i32
          %dma_start3A_290 = arith.constant 0 : i32
          %dma_start3A_291 = tpu.memref_slice %arg3[%dma_start3A_289, %dma_start3A_290] : memref<100000x128xf32, #tpu.memory_space<hbm>> -> memref<100000x128xf32, #tpu.memory_space<hbm>>
          tpu.enqueue_indirect_dma source(%dma_start3A_291 : memref<100000x128xf32, #tpu.memory_space<hbm>>) target(%arg10 : memref<100x128xf32, #tpu.memory_space<vmem>>) offsets(%dma_start3A_288 : memref<100xi32, #tpu.memory_space<vmem>>) semaphore(%arg14 : memref<!tpu.dma_semaphore, #tpu.memory_space<semaphore_mem>>)
        } else {
        }
        %mul3A_213 = arith.constant 16 : i32
        %mul3A_214 = arith.muli %scan3A_25, %mul3A_213 : i32
        %mul3A_215 = arith.constant 2 : i32
        %mul3A_216 = arith.muli %scan3A_62, %mul3A_215 : i32
        %add3A_217 = arith.addi %mul3A_214, %mul3A_216 : i32
        %add3A_218 = arith.constant 1 : i32
        %add3A_219 = arith.addi %add3A_217, %add3A_218 : i32
        %mul3A_220 = arith.constant 5.000000e-03 : f32
        %mul3A_221 = vector.broadcast %mul3A_220 : f32 to vector<16xf32>
        %mul3A_222 = arith.mulf %scan3A_206#0, %mul3A_221 : vector<16xf32>
        %swap3A_223 = arith.index_cast %add3A_219 : i32 to index
        %swap3A_224 = arith.constant 0 : index
        %swap3A_225 = tpu.vector_load %arg6[%swap3A_223, %swap3A_224] {strides = array<i32>} : memref<128x128xf32, #tpu.memory_space<vmem>>, vector<1x16xf32>,
        %swap3A_226 = vector.shape_cast %swap3A_225 : vector<1x16xf32> to vector<16xf32>
        %swap3A_227 = vector.shape_cast %mul3A_222 : vector<16xf32> to vector<1x16xf32>
        tpu.vector_store %arg6[%swap3A_223, %swap3A_224], %swap3A_227 {strides = array<i32>} : memref<128x128xf32, #tpu.memory_space<vmem>>, vector<1x16xf32>,
        %mul3A_228 = arith.constant 5.000000e-03 : f32
        %mul3A_229 = vector.broadcast %mul3A_228 : f32 to vector<16xf32>
        %mul3A_230 = arith.mulf %scan3A_206#1, %mul3A_229 : vector<16xf32>
        %swap3A_231 = arith.index_cast %add3A_219 : i32 to index
        %swap3A_232 = arith.constant 16 : index
        %swap3A_233 = tpu.vector_load %arg6[%swap3A_231, %swap3A_232] {strides = array<i32>} : memref<128x128xf32, #tpu.memory_space<vmem>>, vector<1x16xf32>,
        %swap3A_234 = vector.shape_cast %swap3A_233 : vector<1x16xf32> to vector<16xf32>
        %swap3A_235 = vector.shape_cast %mul3A_230 : vector<16xf32> to vector<1x16xf32>
        tpu.vector_store %arg6[%swap3A_231, %swap3A_232], %swap3A_235 {strides = array<i32>} : memref<128x128xf32, #tpu.memory_space<vmem>>, vector<1x16xf32>,
        %mul3A_236 = arith.constant 5.000000e-03 : f32
        %mul3A_237 = vector.broadcast %mul3A_236 : f32 to vector<16xf32>
        %mul3A_238 = arith.mulf %scan3A_206#2, %mul3A_237 : vector<16xf32>
        %swap3A_239 = arith.index_cast %add3A_219 : i32 to index
        %swap3A_240 = arith.constant 32 : index
        %swap3A_241 = tpu.vector_load %arg6[%swap3A_239, %swap3A_240] {strides = array<i32>} : memref<128x128xf32, #tpu.memory_space<vmem>>, vector<1x16xf32>,
        %swap3A_242 = vector.shape_cast %swap3A_241 : vector<1x16xf32> to vector<16xf32>
        %swap3A_243 = vector.shape_cast %mul3A_238 : vector<16xf32> to vector<1x16xf32>
        tpu.vector_store %arg6[%swap3A_239, %swap3A_240], %swap3A_243 {strides = array<i32>} : memref<128x128xf32, #tpu.memory_space<vmem>>, vector<1x16xf32>,
        %mul3A_244 = arith.constant 5.000000e-03 : f32
        %mul3A_245 = vector.broadcast %mul3A_244 : f32 to vector<16xf32>
        %mul3A_246 = arith.mulf %scan3A_206#3, %mul3A_245 : vector<16xf32>
        %swap3A_247 = arith.index_cast %add3A_219 : i32 to index
        %swap3A_248 = arith.constant 48 : index
        %swap3A_249 = tpu.vector_load %arg6[%swap3A_247, %swap3A_248] {strides = array<i32>} : memref<128x128xf32, #tpu.memory_space<vmem>>, vector<1x16xf32>,
        %swap3A_250 = vector.shape_cast %swap3A_249 : vector<1x16xf32> to vector<16xf32>
        %swap3A_251 = vector.shape_cast %mul3A_246 : vector<16xf32> to vector<1x16xf32>
        tpu.vector_store %arg6[%swap3A_247, %swap3A_248], %swap3A_251 {strides = array<i32>} : memref<128x128xf32, #tpu.memory_space<vmem>>, vector<1x16xf32>,
        %mul3A_252 = arith.constant 5.000000e-03 : f32
        %mul3A_253 = vector.broadcast %mul3A_252 : f32 to vector<16xf32>
        %mul3A_254 = arith.mulf %scan3A_206#4, %mul3A_253 : vector<16xf32>
        %swap3A_255 = arith.index_cast %add3A_219 : i32 to index
        %swap3A_256 = arith.constant 64 : index
        %swap3A_257 = tpu.vector_load %arg6[%swap3A_255, %swap3A_256] {strides = array<i32>} : memref<128x128xf32, #tpu.memory_space<vmem>>, vector<1x16xf32>,
        %swap3A_258 = vector.shape_cast %swap3A_257 : vector<1x16xf32> to vector<16xf32>
        %swap3A_259 = vector.shape_cast %mul3A_254 : vector<16xf32> to vector<1x16xf32>
        tpu.vector_store %arg6[%swap3A_255, %swap3A_256], %swap3A_259 {strides = array<i32>} : memref<128x128xf32, #tpu.memory_space<vmem>>, vector<1x16xf32>,
        %mul3A_260 = arith.constant 5.000000e-03 : f32
        %mul3A_261 = vector.broadcast %mul3A_260 : f32 to vector<16xf32>
        %mul3A_262 = arith.mulf %scan3A_206#5, %mul3A_261 : vector<16xf32>
        %swap3A_263 = arith.index_cast %add3A_219 : i32 to index
        %swap3A_264 = arith.constant 80 : index
        %swap3A_265 = tpu.vector_load %arg6[%swap3A_263, %swap3A_264] {strides = array<i32>} : memref<128x128xf32, #tpu.memory_space<vmem>>, vector<1x16xf32>,
        %swap3A_266 = vector.shape_cast %swap3A_265 : vector<1x16xf32> to vector<16xf32>
        %swap3A_267 = vector.shape_cast %mul3A_262 : vector<16xf32> to vector<1x16xf32>
        tpu.vector_store %arg6[%swap3A_263, %swap3A_264], %swap3A_267 {strides = array<i32>} : memref<128x128xf32, #tpu.memory_space<vmem>>, vector<1x16xf32>,
        %mul3A_268 = arith.constant 5.000000e-03 : f32
        %mul3A_269 = vector.broadcast %mul3A_268 : f32 to vector<16xf32>
        %mul3A_270 = arith.mulf %scan3A_206#6, %mul3A_269 : vector<16xf32>
        %swap3A_271 = arith.index_cast %add3A_219 : i32 to index
        %swap3A_272 = arith.constant 96 : index
        %swap3A_273 = tpu.vector_load %arg6[%swap3A_271, %swap3A_272] {strides = array<i32>} : memref<128x128xf32, #tpu.memory_space<vmem>>, vector<1x16xf32>,
        %swap3A_274 = vector.shape_cast %swap3A_273 : vector<1x16xf32> to vector<16xf32>
        %swap3A_275 = vector.shape_cast %mul3A_270 : vector<16xf32> to vector<1x16xf32>
        tpu.vector_store %arg6[%swap3A_271, %swap3A_272], %swap3A_275 {strides = array<i32>} : memref<128x128xf32, #tpu.memory_space<vmem>>, vector<1x16xf32>,
        %mul3A_276 = arith.constant 5.000000e-03 : f32
        %mul3A_277 = vector.broadcast %mul3A_276 : f32 to vector<16xf32>
        %mul3A_278 = arith.mulf %scan3A_206#7, %mul3A_277 : vector<16xf32>
        %swap3A_279 = arith.index_cast %add3A_219 : i32 to index
        %swap3A_280 = arith.constant 112 : index
        %swap3A_281 = tpu.vector_load %arg6[%swap3A_279, %swap3A_280] {strides = array<i32>} : memref<128x128xf32, #tpu.memory_space<vmem>>, vector<1x16xf32>,
        %swap3A_282 = vector.shape_cast %swap3A_281 : vector<1x16xf32> to vector<16xf32>
        %swap3A_283 = vector.shape_cast %mul3A_278 : vector<16xf32> to vector<1x16xf32>
        tpu.vector_store %arg6[%swap3A_279, %swap3A_280], %swap3A_283 {strides = array<i32>} : memref<128x128xf32, #tpu.memory_space<vmem>>, vector<1x16xf32>,
      }
      %scan3A_61 = arith.constant 8 : i32
    }
    %scan3A_22 = arith.constant 8 : i32
    %mul3A_23 = arith.constant 128 : i32
    %mul3A_24 = arith.muli %add3A, %mul3A_23 : i32
    "tpu.region"() ({
      %run_scoped3A = tpu.sem_alloc : memref<!tpu.dma_semaphore, #tpu.memory_space<semaphore_mem>>
      %dma_start3A = arith.constant 0 : i32
      %dma_start3A_25 = tpu.memref_slice %arg4[%mul3A_24, %dma_start3A] : memref<4096x128xf32, #tpu.memory_space<hbm>> -> memref<128x128xf32, #tpu.memory_space<hbm>>
      %dma_start3A_26 = arith.constant 0 : i32
      %dma_start3A_27 = tpu.memref_slice %arg4[%mul3A_24, %dma_start3A_26] : memref<4096x128xf32, #tpu.memory_space<hbm>> -> memref<128x128xf32, #tpu.memory_space<hbm>>
      tpu.enqueue_dma source(%arg6 : memref<128x128xf32, #tpu.memory_space<vmem>>) target(%dma_start3A_27 : memref<128x128xf32, #tpu.memory_space<hbm>>) target_semaphore(%run_scoped3A : memref<!tpu.dma_semaphore, #tpu.memory_space<semaphore_mem>>)
      %dma_wait3A = arith.constant 0 : i32
      %dma_wait3A_28 = tpu.memref_slice %arg4[%mul3A_24, %dma_wait3A] : memref<4096x128xf32, #tpu.memory_space<hbm>> -> memref<128x128xf32, #tpu.memory_space<hbm>>
      %dma_wait3A_29 = arith.constant 0 : i32
      %dma_wait3A_30 = tpu.memref_slice %arg4[%mul3A_24, %dma_wait3A_29] : memref<4096x128xf32, #tpu.memory_space<hbm>> -> memref<128x128xf32, #tpu.memory_space<hbm>>
      tpu.wait_dma2 semaphore(%run_scoped3A : memref<!tpu.dma_semaphore, #tpu.memory_space<semaphore_mem>>) src(%arg6 : memref<128x128xf32, #tpu.memory_space<vmem>>) dst(%dma_wait3A_30 : memref<128x128xf32, #tpu.memory_space<hbm>>)
      tpu.yield
    }) : () -> ()
    return
  }
}

module attributes {stable_mosaic.version = 14 : i64} {
  func.func @_mm_body(%arg0: i32, %arg1: memref<512x128xf32, #tpu.memory_space<vmem>>, %arg2: memref<4096x128xf32, #tpu.memory_space<vmem>>, %arg3: memref<512x1xf32, #tpu.memory_space<vmem>>, %arg4: memref<512x4096xf32, #tpu.memory_space<vmem>>) attributes {dimension_semantics = [#tpu.dimension_semantics<arbitrary>], iteration_bounds = array<i64: 196>, scalar_prefetch = 0 : i64, scratch_operands = 0 : i64, tpu.core_type = #tpu.core_type<tc>, window_params = [{transform_indices = @transform_0, window_bounds = array<i64: 512, 128>}, {pipeline_mode = #tpu.pipeline_mode<synchronous>, transform_indices = @transform_1, window_bounds = array<i64: 4096, 128>}, {transform_indices = @transform_2, window_bounds = array<i64: 512, 1>}, {transform_indices = @transform_3, window_bounds = array<i64: 512, 4096>}]} {
    %get3A = arith.constant 0 : index
    %get3A_0 = arith.constant 0 : index
    %get3A_1 = vector.load %arg1[%get3A, %get3A_0] : memref<512x128xf32, #tpu.memory_space<vmem>>, vector<512x128xf32>
    %get3A_2 = arith.constant 0 : index
    %get3A_3 = arith.constant 0 : index
    %get3A_4 = vector.load %arg2[%get3A_2, %get3A_3] : memref<4096x128xf32, #tpu.memory_space<vmem>>, vector<4096x128xf32>
    %dot_general3A = arith.constant dense<0.000000e+00> : vector<512x4096xf32>
    %dot_general3A_5 = tpu.matmul %get3A_1, %get3A_4, %dot_general3A {dimension_numbers = #tpu.dot_dimension_numbers<[1], [1], [0], [0], [0, 0, 1, 0], [], []>, transpose_lhs_hint = false} : vector<512x128xf32>, vector<4096x128xf32>, vector<512x4096xf32> -> vector<512x4096xf32>
    %get3A_6 = arith.constant 0 : index
    %get3A_7 = arith.constant 0 : index
    %get3A_8 = vector.load %arg3[%get3A_6, %get3A_7] : memref<512x1xf32, #tpu.memory_space<vmem>>, vector<512x1xf32>
    %add3A = vector.broadcast %get3A_8 : vector<512x1xf32> to vector<512x4096xf32>
    %add3A_9 = arith.addf %dot_general3A_5, %add3A : vector<512x4096xf32>
    %swap3A = arith.constant 0 : index
    %swap3A_10 = arith.constant 0 : index
    %swap3A_11 = vector.load %arg4[%swap3A, %swap3A_10] : memref<512x4096xf32, #tpu.memory_space<vmem>>, vector<512x4096xf32>
    tpu.vector_store %arg4[%swap3A, %swap3A_10], %add3A_9 {strides = array<i32>} : memref<512x4096xf32, #tpu.memory_space<vmem>>, vector<512x4096xf32>,
    return
  }
  func.func @transform_0(%arg0: i32) -> (i32, i32) {
    %c0_i32 = arith.constant 0 : i32
    %c0_i32_0 = arith.constant 0 : i32
    return %arg0, %c0_i32 : i32, i32
  }
  func.func @transform_1(%arg0: i32) -> (i32, i32) {
    %c0_i32 = arith.constant 0 : i32
    %c0_i32_0 = arith.constant 0 : i32
    %c0_i32_1 = arith.constant 0 : i32
    return %c0_i32, %c0_i32_0 : i32, i32
  }
  func.func @transform_2(%arg0: i32) -> (i32, i32) {
    %c0_i32 = arith.constant 0 : i32
    %c0_i32_0 = arith.constant 0 : i32
    return %arg0, %c0_i32 : i32, i32
  }
  func.func @transform_3(%arg0: i32) -> (i32, i32) {
    %c0_i32 = arith.constant 0 : i32
    %c0_i32_0 = arith.constant 0 : i32
    return %arg0, %c0_i32 : i32, i32
  }
}

</mosaic_0001>

<sc_bundles>
// kernel: kernel.4.cloned.1.call-start
scs
__scs_entry_jumppad:
0x0: {  	(pc) =	sbr.rel $0x88, $3  }
0x1: {  	(tag) =	ssettag $0x0;
	lr =	simm.s32 $0x1  }
0x2: {  	[smem:$0x3F9D] =	sst lr;
	_ =	strace $0xD0000000  }
0x3: {  	_ = 	snop  }
0x4: {  	_ = 	snop  }
0x5: {  	_ = 	snop  }
0x6: {  	_ = 	snop  }
0x7: {  	_ = 	snop  }
__scs_overlays_trampoline_lowered:
0x8: {  	[smem:$0x3FAC] =	sst s0  }
0x9: {  	[smem:$0x3FAD] =	sst s1  }
0xa: {  	[smem:$0x3FAE] =	sst s2  }
0xb: {  	[smem:$0x3FAF] =	sst s3  }
0xc: {  	[smem:$0x3FB0] =	sst s4  }
0xd: {  	[smem:$0x3FB1] =	sst s5  }
0xe: {  	[smem:$0x3FB2] =	sst s6  }
0xf: {  	[smem:$0x3FB3] =	sst s7  }
0x10: {  	[smem:$0x3FB4] =	sst s8  }
0x11: {  	[smem:$0x3FB5] =	sst s9;
	s0 =	simm.s32 @!p0 $0x0  }
0x12: {  	s1 =	sld [smem:$0x3F9B];
	s0 =	simm.s32 @p0 $0x1  }
0x13: {  	[smem:$0x3FB6] =	sst s0;
	s0 =	simm.s32 @!p1 $0x0  }
0x14: {  	s2 =	sld [smem:$0x3F9A];
	s0 =	simm.s32 @p1 $0x1  }
0x15: {  	[smem:$0x3FB7] =	sst s0;
	s0 =	simm.s32 @!p2 $0x0  }
0x16: {  	s3 =	sld [smem:$0x3FDB];
	s0 =	simm.s32 @p2 $0x1  }
0x17: {  	s4 =	simm.s32 $0x1BF5;
	[smem:$0x3FB9] =	sst s0  }
0x18: {  	s0 =	sld [smem:$0x3F9C];
	_ =	swait.ge [sflag:s4], $0x0  }
0x19: {  	s7 =	sld [smem:$0x3F9D]  }
0x1a: {  	s8 =	sadd.s32 $0xFFFFE003, lr  }
0x1b: {  	s9 =	sadd.s32 $0xFFFFFEF7, lr;
	s5 =	simm.s32 $0xFFFFFFFF;
	p2 =	slt.u32 s8, $0xFFFFF086  }
0x1c: {  	p1 =	slt.u32 s9, $0xF7A;
	s5 =	simm.s32 @!p2 $0x0  }
0x1d: {  	s5 =	simm.s32 @p1 $0x1;
	p0 =	seq.s32 s7, s2  }
0x1e: {  	s7 =	smul.u32 @!p0 $0xF7A, s2;
	p2 =	seq.s32 @!p0 s5, $0x0  }
0x1f: {  	s9 =	smul.u32 $0xF7A, s1;
	s8 =	simm.s32 @!p0 $0x1BF5;
	p2 =	por !p2, p0  }
0x20: {  	[sflag:s8] =	ssyncset.s32 @!p0 $0xFFFFF086;
	s6 =	sadd.s32 @!p0 s3, s7;
	s7 =	simm.s32 @!p0 $0x108  }
0x21: {  	s3 =	sadd.s32 s3, s9;
	s6 =	sadd.s32 @!p0 $0x88, s6;
	s7 =	simm.s32 @p2 $0x1082  }
0x22: {  	[simem:s7], [sflag:s8] =	dma.local @!p0 [hbm:s6], $0xF7A  }
0x23: {  	s9 =	sor.u32 $0xD0000000, s2;
	s6 =	simm.s32 $0x108;
	_ =	swait.ge @!p0 [sflag:s8], $0x0  }
0x24: {  	s3 =	sadd.s32 $0x88, s3;
	s6 =	simm.s32 @!p1 $0x1082;
	[sflag:s4] =	ssyncset.s32 $0xFFFFF086  }
0x25: {  	[simem:s6], [sflag:s4] =	dma.local [hbm:s3], $0xF7A  }
0x26: {  	[smem:$0x3F9D] =	sst s1;
	(tag) =	ssettag s2;
	_ =	strace s9  }
0x27: {  	s1 =	sld [smem:$0x3FAD]  }
0x28: {  	s2 =	sld [smem:$0x3FAE]  }
0x29: {  	s4 =	sld [smem:$0x3FB0]  }
0x2a: {  	p0 =	seq.s32 s5, $0x0;
	s5 =	sld [smem:$0x3FB1]  }
0x2b: {  	s6 =	sld [smem:$0x3FB2]  }
0x2c: {  	s7 =	sld [smem:$0x3FB3]  }
0x2d: {  	s3 =	simm.s32 $0x108;
	s8 =	sld [smem:$0x3FB4]  }
0x2e: {  	s3 =	simm.s32 @!p0 $0x1082;
	s9 =	sld [smem:$0x3FB5]  }
0x2f: {  	lr =	sadd.s32 s0, s3;
	s0 =	sld [smem:$0x3FAC]  }
0x30: {  	s3 =	sld [smem:$0x3FAF]  }
0x31: {  	[smem:$0x3FB8] =	sst s10  }
0x32: {  	s10 =	sld [smem:$0x3FB6];
	_ =	sdelay $0x3  }
0x33: {  	p0 =	seq.s32 s10, $0x1;
	s10 =	sld [smem:$0x3FB8];
	_ =	sdelay $0x3  }
0x34: {  	[smem:$0x3FB8] =	sst s10  }
0x35: {  	s10 =	sld [smem:$0x3FB7];
	_ =	sdelay $0x3  }
0x36: {  	p1 =	seq.s32 s10, $0x1;
	s10 =	sld [smem:$0x3FB8];
	_ =	sdelay $0x3  }
0x37: {  	[smem:$0x3FB8] =	sst s10  }
0x38: {  	s10 =	sld [smem:$0x3FB9]  }
0x39: {  	_ = 	snop;
	(pc) =	sbr.ind lr, $3  }
0x3a: {  	_ = 	snop  }
0x3b: {  	_ = 	snop  }
0x3c: {  	p2 =	seq.s32 s10, $0x1;
	s10 =	sld [smem:$0x3FB8]  }
0x3d: {  	_ =	shalt  }
0x3e: {  	_ =	shalt  }
0x3f: {  	_ =	shalt  }
0x40: {  	_ =	shalt  }
0x41: {  	_ =	shalt  }
0x42: {  	_ =	shalt  }
0x43: {  	_ =	shalt  }
0x44: {  	_ =	shalt  }
0x45: {  	_ =	shalt  }
0x46: {  	_ =	shalt  }
0x47: {  	_ =	shalt  }
0x48: {  	_ =	shalt  }
0x49: {  	_ =	shalt  }
0x4a: {  	_ =	shalt  }
0x4b: {  	_ =	shalt  }
0x4c: {  	_ =	shalt  }
0x4d: {  	_ =	shalt  }
0x4e: {  	_ =	shalt  }
0x4f: {  	_ =	shalt  }
0x50: {  	_ =	shalt  }
0x51: {  	_ =	shalt  }
0x52: {  	_ =	shalt  }
0x53: {  	_ =	shalt  }
0x54: {  	_ =	shalt  }
0x55: {  	_ =	shalt  }
0x56: {  	_ =	shalt  }
0x57: {  	_ =	shalt  }
0x58: {  	_ =	shalt  }
0x59: {  	_ =	shalt  }
0x5a: {  	_ =	shalt  }
0x5b: {  	_ =	shalt  }
0x5c: {  	_ =	shalt  }
0x5d: {  	_ =	shalt  }
0x5e: {  	_ =	shalt  }
0x5f: {  	_ =	shalt  }
0x60: {  	_ =	shalt  }
0x61: {  	_ =	shalt  }
0x62: {  	_ =	shalt  }
0x63: {  	_ =	shalt  }
0x64: {  	_ =	shalt  }
0x65: {  	_ =	shalt  }
0x66: {  	_ =	shalt  }
0x67: {  	_ =	shalt  }
0x68: {  	_ =	shalt  }
0x69: {  	_ =	shalt  }
0x6a: {  	_ =	shalt  }
0x6b: {  	_ =	shalt  }
0x6c: {  	_ =	shalt  }
0x6d: {  	_ =	shalt  }
0x6e: {  	_ =	shalt  }
0x6f: {  	_ =	shalt  }
0x70: {  	_ =	shalt  }
0x71: {  	_ =	shalt  }
0x72: {  	_ =	shalt  }
0x73: {  	_ =	shalt  }
0x74: {  	_ =	shalt  }
0x75: {  	_ =	shalt  }
0x76: {  	_ =	shalt  }
0x77: {  	_ =	shalt  }
0x78: {  	_ =	shalt  }
0x79: {  	_ =	shalt  }
0x7a: {  	_ =	shalt  }
0x7b: {  	_ =	shalt  }
0x7c: {  	_ =	shalt  }
0x7d: {  	_ =	shalt  }
0x7e: {  	_ =	shalt  }
0x7f: {  	_ =	shalt  }
0x80: {  	_ =	shalt  }
0x81: {  	_ =	shalt  }
0x82: {  	_ =	shalt  }
0x83: {  	_ =	shalt  }
0x84: {  	_ =	shalt  }
0x85: {  	_ =	shalt  }
0x86: {  	_ =	shalt  }
0x87: {  	_ =	shalt  }
.Lfunc_end0:
.L_simem_size_0:
called_computation_lowered:
.L_overlay_start_0:
0x88: {  	s2 =	sld [smem:$0x3FD9]  }
0x89: {  	s3 =	sld [smem:$0x3FFE];
	_ =	sdelay $0x1  }
0x8a: {  	s1 =	srdreg.scid  }
0x8b: {  	s0 =	sand.u32 $0x1, s1  }
0x8c: {  	s17 =	sshll.u32 s0, $0xA;
	s2 =	sadd.s32 s3, s2  }
0x8d: {  	s2 =	sadd.s32 s2, s17  }
0x8e: {  	[smem:$0x3FC4] =	sst s2  }
0x8f: {  	_ = 	snop  }
0x90: {  	s2 =	sld [smem:$0x3FC8]  }
0x91: {  	s18 =	sld [smem:$0x3FD0];
	(tm) =	ssettm $0x1  }
0x92: {  	s4 =	sld [smem:$0x3FFB];
	_ =	sdelay $0x3  }
0x93: {  	_ =	strace s4  }
0x94: {  	s4 =	sld [smem:$0x3FFC];
	_ =	sdelay $0x3  }
0x95: {  	_ =	strace s4  }
0x96: {  	s4 =	sld [smem:$0x3FFD];
	_ =	sdelay $0x3  }
0x97: {  	_ =	strace s4  }
0x98: {  	_ =	strace $0x8FFFFFFF  }
0x99: {  	s19 =	sld [smem:$0x3FDB];
	_ =	sdelay $0x1  }
0x9a: {  	s5 =	simm.s32 $_scs_section_size  }
0x9b: {  	s6 =	simm.s32 $_size__tile_overlayer_lowered;
	s7 =	simm.s32 $_tile_overlayer_lowered  }
0x9c: {  	s22 =	simm.s32 $0x1BFF;
	s21 =	sshll.u32 s7, $0x1;
	s4 =	sadd.s32 s5, s19  }
0x9d: {  	s8 =	simm.s32 $0x0;
	s20 =	sshll.u32 s6, $0x1;
	s6 =	sadd.s32 s21, s4  }
0x9e: {  	[timem:s8], [sflag:s22] =	dma.local [hbm:s6], s20  }
0x9f: {  	_ =	swait.ge [sflag:s22], s20  }
0xa0: {  	s5 =	ssub.s32 $0x0, s20;
	[sflag:s22] =	ssyncset.done $0x0  }
0xa1: {  	[sflag:s22] =	ssyncadd.s32 s5;
	_ =	sdelay $0x1  }
0xa2: {  	s23 =	simm.s32 $0x1B8B  }
0xa3: {  	_ =	swait.ge [sflag:s23], $0x1  }
0xa4: {  	[sflag:s23] =	ssyncset.done $0x0  }
0xa5: {  	s25 =	simm.s32 $0x1B8E;
	s24 =	sld [smem:$0x3FFE];
	[sflag:s23] =	ssyncadd.s32 $0xFFFFFFFF  }
0xa6: {  	s26 =	simm.s32 $execute0_lowered;
	[smem:$0x3FD2] =	sst s25  }
0xa7: {  	s6 =	sshll.u32 s26, $0x1;
	_ =	strace $0x80000046;
	[dreg:$0x1] =	wrdreg $0xFFFFFFFF  }
0xa8: {  	s28 =	simm.s32 $_size_execute0_lowered;
	s4 =	sadd.s32 s4, s6;
	[dreg:$0x0] =	wrdreg $0x0  }
0xa9: {  	s6 =	sshll.u32 s28, $0x1;
	[dreg:$0x2] =	wrdreg s4  }
0xaa: {  	[dreg:$0x3] =	wrdreg s6  }
0xab: {  	[dreg:$0x4] =	wrdreg $0xC0  }
0xac: {  	_ =	task [dreg:s8], $0x5FFFF  }
0xad: {  	[dreg:$0x1] =	wrdreg $0xFFFFFFFF  }
0xae: {  	[dreg:$0x0] =	wrdreg $0x60  }
0xaf: {  	[dreg:$0x2] =	wrdreg s18  }
0xb0: {  	[dreg:$0x3] =	wrdreg s2  }
0xb1: {  	[dreg:$0x4] =	wrdreg s24  }
0xb2: {  	[dreg:$0x5] =	wrdreg $0x9  }
0xb3: {  	_ =	task.clear_ibuf [dreg:s8], $0x6FFFF;
	_ =	strace $0x90000046  }
0xb4: {  	s29 =	simm.s32 $0x9;
	_ =	strace $0x80000048  }
0xb5: {  	_ =	swait.ge [sflag:s29], $0x1  }
0xb6: {  	[sflag:s29] =	ssyncadd.s32 $0xFFFFFFFF  }
0xb7: {  	_ =	strace $0x90000048  }
0xb8: {  	_ =	sfence  }
0xb9: {  	s30 =	sld [smem:$0x0];
	_ =	sdelay $0x2  }
0xba: {  	s31 =	sshll.u32 s1, $0xD;
	s1 =	sshrl.u32 s1, $0x2  }
0xbb: {  	s3 =	sand.u32 $0x4000, s31;
	s1 =	sadd.s32 s1, s30  }
0xbc: {  	s0 =	sor.u32 s3, s0;
	s1 =	sshll.u32 s1, $0x11  }
0xbd: {  	s0 =	sor.u32 s1, s0  }
0xbe: {  	s0 =	sadd.s32 $0x8F2B, s0  }
0xbf: {  	[sflag:s0] =	ssyncadd.remote.s32 $0x1  }
0xc0: {  	_ =	sfence.sel $0xFFFF  }
0xc1: {  	[dreg:$0x0] =	wrdreg $0xFFFFFFFF;
	(pc) =	sbr.abs _section_cstart, $3  }
0xc2: {  	[dreg:$0x1] =	wrdreg $0xFFFFFFFF  }
0xc3: {  	_ =	task.clear_ibuf [dreg:s8], $0x2FFFF;
	_ =	strace $0x9FFFFFFF  }
0xc4: {  	(tm) =	ssettm $0x7FFFFFFF  }
0xc5: {  	_ =	shalt  }
tec
execute0_lowered:
.L_overlay_start_1:
0x0: {  	(tag) =	ssettag $0x1  }
0x1: {  	s4 =	rddreg [dreg:$0x0]  }
0x2: {  	s2 =	rddreg [dreg:$0x1]  }
0x3: {  	s5 =	rddreg [dreg:$0x2]  }
0x4: {  	s0 =	rddreg [dreg:$0x3]  }
0x5: {  	s6 =	srdreg.scid;
	s1 =	stileid.u32  }
0x6: {  	s3 =	simm.s32 $0x0;
	s10 =	simm.s32 $0x80;
	s11 =	simm.s32 $0x8400  }
0x7: {  	s12 =	simm.s32 $0x100;
	s13 =	simm.s32 $0xB800;
	s14 =	simm.s32 $0x180  }
0x8: {  	s15 =	simm.s32 $0xEC00;
	s16 =	simm.s32 $0x1;
	s17 =	simm.s32 $0x2  }
0x9: {  	s18 =	simm.s32 $0x3;
	s19 =	simm.s32 $0x4;
	s20 =	simm.s32 $0x1000  }
0xa: {  	s21 =	simm.s32 $0x0;
	s6 =	sand.u32 $0x1, s6;
	s7 =	sshll.u32 s1, $0x1  }
0xb: {  	[smem:$0x7FF] =	sst s3;
	s7 =	sor.u32 s6, s7;
	s6 =	ssub.s32 $0x2, s6  }
0xc: {  	_ =	strace $0x80000047;
	s8 =	sshll.u32 s7, $0xB;
	s9 =	sshrl.u32 s6, $0x1  }
0xd: {  	s7 =	sshll.u32 s7, $0xC;
	s5 =	sadd.s32 s8, s5;
	s6 =	ssub.s32 s6, s9  }
0xe: {  	s4 =	sadd.s32 s4, s7;
	s7 =	simm.s32 $0x5;
	s8 =	simm.s32 $0x64  }
0xf: {  	s9 =	simm.s32 $0x5000;
	s5 =	sadd.s32 $0x800, s5;
	s6 =	smax.u32 s6, $0x1  }
.LBB2_1:
0x10: {  	s22 =	simm.s32 $0x0  }
.LBB2_2:
0x11: {  	s23 =	sshll.u32 s22, $0x9  }
0x12: {  	s24 =	sadd.s32 s23, s4;
	s23 =	simm.s32 $0x0  }
0x13: {  	[tilespmem:s23], [sflag:$0x5] =	stream.linear.gather [hbm4b:s24+s23], $0x1000, $0x38;
	[tilespmem:$0x12000] =	vst v63  }
0x14: {  	_ =	swait.ge [sflag:s7], $0x1000  }
0x15: {  	[sflag:s7] =	ssyncset.done $0x0  }
0x16: {  	[sflag:s7] =	ssyncadd.s32 $0xFFFFF000  }
0x17: {  	[tilespmem:s9], [sflag:$0x1] =	stream.indirect.gather [hbm4b:s2+s8], $0x80, s23, s8, $0xb8;
	[tilespmem:$0x12000] =	vst v63  }
0x18: {  	s31 =	sshll.u32 s22, $0xB  }
0x19: {  	[tilespmem:s11], [sflag:$0x2] =	stream.indirect.gather [hbm4b:s2+s8], $0x80, s10, s8, $0xb8;
	[tilespmem:$0x12000] =	vst v63  }
0x1a: {  	s24 =	sand.u32 $0x3FFFF800, s31  }
0x1b: {  	[tilespmem:s13], [sflag:$0x3] =	stream.indirect.gather [hbm4b:s2+s8], $0x80, s12, s8, $0xb8;
	[tilespmem:$0x12000] =	vst v63  }
0x1c: {  	s24 =	sadd.s32 $0x1000, s24  }
0x1d: {  	v0 =	vmov s24;
	[tilespmem:s15], [sflag:$0x4] =	stream.indirect.gather [hbm4b:s2+s8], $0x80, s14, s8, $0xb8;
	[tilespmem:$0x12000] =	vst v63  }
.LBB2_3:
0x1e: {  	_ =	swait.ge [sflag:s16], $0x3200  }
0x1f: {  	[sflag:s16] =	ssyncset.done $0x0  }
0x20: {  	s28 =	simm.s32 $0x0;
	[sflag:s16] =	ssyncadd.s32 $0xFFFFCE00  }
0x21: {  	v1 =	vld [tilespmem:s28+$0x5070]  }
0x22: {  	v3 =	vld [tilespmem:s28+$0x5000]  }
0x23: {  	v5 =	vld [tilespmem:s28+$0x5010]  }
0x24: {  	v6 =	vld [tilespmem:s28+$0x5020]  }
0x25: {  	v9 =	vld [tilespmem:s28+$0x5030]  }
0x26: {  	v4 =	vimm.f32 $0.0e+00;
	v10 =	vimm.f32 $0.0e+00;
	v7 =	vld [tilespmem:s28+$0x5040]  }
0x27: {  	v11 =	vimm.f32 $0.0e+00;
	v8 =	vimm.f32 $0.0e+00;
	v12 =	vld [tilespmem:s28+$0x5050];
	v2 =	vadd.f32 v1, v4  }
0x28: {  	s26 =	simm.s32 $0x80;
	s25 =	simm.s32 $0x400;
	v13 =	vld [tilespmem:s28+$0x5060];
	v1 =	vadd.f32 v3, v4;
	v3 =	vadd.f32 v5, v4;
	v5 =	vimm.f32 $0.0e+00  }
.LBB2_4:
0x29: {  	p0 =	sne.s32 s25, $0xC600;
	v14 =	vld [tilespmem:s26+$0x5070];
	v4 =	vadd.f32 v6, v4  }
0x2a: {  	v15 =	vld [tilespmem:s26+$0x5000];
	v5 =	vadd.f32 v9, v5  }
0x2b: {  	v16 =	vld [tilespmem:s26+$0x5010];
	v10 =	vadd.f32 v7, v10  }
.Ltmp0:
0x2c: {  	v6 =	vld [tilespmem:s26+$0x5020];
	v11 =	vadd.f32 v12, v11;
	(pc) =	sbr.rel @p0 .LBB2_4-.Ltmp0, $4  }
0x2d: {  	v9 =	vld [tilespmem:s26+$0x5030];
	v8 =	vadd.f32 v13, v8  }
0x2e: {  	v7 =	vld [tilespmem:s26+$0x5040];
	v2 =	vadd.f32 v14, v2  }
0x2f: {  	v1 =	vadd.f32 v15, v1;
	v12 =	vld [tilespmem:s26+$0x5050]  }
0x30: {  	v3 =	vadd.f32 v16, v3;
	v13 =	vld [tilespmem:s26+$0x5060];
	s26 =	sshra.s32 s25, $0x2;
	s25 =	sadd.s32 $0x200, s25  }
0x31: {  	v14 =	vld [tilespmem:s26+$0x5070]  }
0x32: {  	v15 =	vld [tilespmem:s26+$0x5000]  }
0x33: {  	v16 =	vld [tilespmem:s26+$0x5010]  }
0x34: {  	v17 =	vld [tilespmem:s26+$0x5020]  }
0x35: {  	v18 =	vld [tilespmem:s26+$0x5030];
	p0 =	seq.s32 s23, $0x7  }
0x36: {  	v19 =	vld [tilespmem:s26+$0x5040];
	s25 =	sshll.u32 @!p0 s23, $0x9  }
0x37: {  	v20 =	vld [tilespmem:s26+$0x5050];
	s25 =	sand.u32 @!p0 $0x3FFFFE00, s25  }
0x38: {  	v21 =	vld [tilespmem:s26+$0x5060];
	s28 =	simm.s32 @!p0 $0x64;
	s29 =	simm.s32 @!p0 $0x5000;
	s26 =	sadd.s32 @!p0 $0x200, s25  }
0x39: {  	[tilespmem:s29], [sflag:$0x1] =	stream.indirect.gather @!p0 [hbm4b:s2+s28], $0x80, s26, s28, $0xb8;
	[tilespmem:$0x12000] =	vst v63  }
0x3a: {  	_ =	swait.ge [sflag:s17], $0x3200  }
0x3b: {  	[sflag:s17] =	ssyncset.done $0x0  }
0x3c: {  	s31 =	simm.s32 $0x0;
	[sflag:s17] =	ssyncadd.s32 $0xFFFFCE00  }
0x3d: {  	v4 =	vadd.f32 v6, v4;
	v5 =	vadd.f32 v9, v5;
	v9 =	vld [tilespmem:s31+$0x8470]  }
0x3e: {  	v10 =	vadd.f32 v7, v10;
	v11 =	vadd.f32 v12, v11;
	v22 =	vld [tilespmem:s31+$0x8400]  }
0x3f: {  	v13 =	vadd.f32 v13, v8;
	v14 =	vadd.f32 v14, v2;
	v23 =	vld [tilespmem:s31+$0x8410]  }
0x40: {  	v15 =	vadd.f32 v15, v1;
	v16 =	vadd.f32 v16, v3;
	v12 =	vld [tilespmem:s31+$0x8420]  }
0x41: {  	v6 =	vadd.f32 v17, v4;
	v5 =	vadd.f32 v18, v5;
	v7 =	vld [tilespmem:s31+$0x8430]  }
0x42: {  	v4 =	vadd.f32 v19, v10;
	v3 =	vadd.f32 v20, v11;
	v8 =	vld [tilespmem:s31+$0x8440]  }
0x43: {  	v2 =	vadd.f32 v21, v13;
	v1 =	vadd.f32 v9, v14;
	v9 =	vld [tilespmem:s31+$0x8450]  }
0x44: {  	s26 =	simm.s32 $0x80;
	s28 =	simm.s32 $0x400;
	v10 =	vld [tilespmem:s31+$0x8460];
	v13 =	vadd.f32 v22, v15;
	v11 =	vadd.f32 v23, v16  }
.LBB2_6:
0x45: {  	p1 =	sne.s32 s28, $0xC600;
	v14 =	vld [tilespmem:s26+$0x8470];
	v6 =	vadd.f32 v12, v6  }
0x46: {  	v15 =	vld [tilespmem:s26+$0x8400];
	v5 =	vadd.f32 v7, v5  }
0x47: {  	v16 =	vld [tilespmem:s26+$0x8410];
	v4 =	vadd.f32 v8, v4  }
.Ltmp1:
0x48: {  	v12 =	vld [tilespmem:s26+$0x8420];
	v3 =	vadd.f32 v9, v3;
	(pc) =	sbr.rel @p1 .LBB2_6-.Ltmp1, $4  }
0x49: {  	v7 =	vld [tilespmem:s26+$0x8430];
	v2 =	vadd.f32 v10, v2  }
0x4a: {  	v8 =	vld [tilespmem:s26+$0x8440];
	v1 =	vadd.f32 v14, v1  }
0x4b: {  	v13 =	vadd.f32 v15, v13;
	v9 =	vld [tilespmem:s26+$0x8450]  }
0x4c: {  	v11 =	vadd.f32 v16, v11;
	v10 =	vld [tilespmem:s26+$0x8460];
	s26 =	sshra.s32 s28, $0x2;
	s28 =	sadd.s32 $0x200, s28  }
0x4d: {  	v14 =	vld [tilespmem:s26+$0x8470]  }
0x4e: {  	v15 =	vld [tilespmem:s26+$0x8400]  }
0x4f: {  	v16 =	vld [tilespmem:s26+$0x8410]  }
0x50: {  	v17 =	vld [tilespmem:s26+$0x8420]  }
0x51: {  	v18 =	vld [tilespmem:s26+$0x8430]  }
0x52: {  	v19 =	vld [tilespmem:s26+$0x8440]  }
0x53: {  	v20 =	vld [tilespmem:s26+$0x8450];
	v6 =	vadd.f32 v12, v6;
	s28 =	simm.s32 @!p0 $0x64;
	v12 =	vadd.f32 v15, v13  }
0x54: {  	s29 =	simm.s32 @!p0 $0x8400;
	s31 =	sshll.u32 s23, $0x8;
	v5 =	vadd.f32 v7, v5;
	v13 =	vld [tilespmem:s26+$0x8460];
	s26 =	sadd.s32 @!p0 $0x280, s25;
	v7 =	vadd.f32 v16, v11  }
0x55: {  	v4 =	vadd.f32 v8, v4;
	v6 =	vadd.f32 v17, v6;
	[tilespmem:s29], [sflag:$0x2] =	stream.indirect.gather @!p0 [hbm4b:s2+s28], $0x80, s26, s28, $0xb8;
	v8 =	vmul.f32 $4.999999890e-03, v12;
	[tilespmem:$0x12000] =	vst v63  }
0x56: {  	v3 =	vadd.f32 v9, v3;
	v5 =	vadd.f32 v18, v5;
	s26 =	sand.u32 $0x3FFFFF00, s31;
	v7 =	vmul.f32 $4.999999890e-03, v7  }
0x57: {  	v2 =	vadd.f32 v10, v2;
	v4 =	vadd.f32 v19, v4;
	v6 =	vmul.f32 $4.999999890e-03, v6;
	[tilespmem:v0+s26+$0x0 ss:$0x1] =	vst.idx.msk $0xffff, v8  }
0x58: {  	v3 =	vadd.f32 v20, v3;
	v5 =	vmul.f32 $4.999999890e-03, v5;
	[tilespmem:v0+s26+$0x10 ss:$0x1] =	vst.idx.msk $0xffff, v7  }
0x59: {  	v4 =	vmul.f32 $4.999999890e-03, v4;
	v2 =	vadd.f32 v13, v2;
	[tilespmem:v0+s26+$0x20 ss:$0x1] =	vst.idx.msk $0xffff, v6  }
0x5a: {  	v1 =	vadd.f32 v14, v1;
	v3 =	vmul.f32 $4.999999890e-03, v3;
	[tilespmem:v0+s26+$0x30 ss:$0x1] =	vst.idx.msk $0xffff, v5  }
0x5b: {  	v2 =	vmul.f32 $4.999999890e-03, v2;
	[tilespmem:v0+s26+$0x40 ss:$0x1] =	vst.idx.msk $0xffff, v4  }
0x5c: {  	v1 =	vmul.f32 $4.999999890e-03, v1;
	[tilespmem:v0+s26+$0x50 ss:$0x1] =	vst.idx.msk $0xffff, v3  }
0x5d: {  	[tilespmem:v0+s26+$0x60 ss:$0x1] =	vst.idx.msk $0xffff, v2  }
0x5e: {  	[tilespmem:v0+s26+$0x70 ss:$0x1] =	vst.idx.msk $0xffff, v1  }
0x5f: {  	_ =	swait.ge [sflag:s18], $0x3200  }
0x60: {  	[sflag:s18] =	ssyncset.done $0x0  }
0x61: {  	s30 =	simm.s32 $0x0;
	[sflag:s18] =	ssyncadd.s32 $0xFFFFCE00  }
0x62: {  	v1 =	vld [tilespmem:s30+$0xB870]  }
0x63: {  	v3 =	vld [tilespmem:s30+$0xB800]  }
0x64: {  	v5 =	vld [tilespmem:s30+$0xB810]  }
0x65: {  	v6 =	vld [tilespmem:s30+$0xB820]  }
0x66: {  	v8 =	vld [tilespmem:s30+$0xB830]  }
0x67: {  	v9 =	vimm.f32 $0.0e+00;
	v4 =	vimm.f32 $0.0e+00;
	v7 =	vld [tilespmem:s30+$0xB840]  }
0x68: {  	v10 =	vimm.f32 $0.0e+00;
	v11 =	vimm.f32 $0.0e+00;
	v12 =	vld [tilespmem:s30+$0xB850];
	v2 =	vadd.f32 v1, v4  }
0x69: {  	s28 =	simm.s32 $0x80;
	s29 =	simm.s32 $0x400;
	s26 =	sadd.s32 s26, s24;
	v13 =	vld [tilespmem:s30+$0xB860];
	v1 =	vadd.f32 v3, v4;
	v3 =	vadd.f32 v5, v4;
	v5 =	vimm.f32 $0.0e+00  }
.LBB2_8:
0x6a: {  	p1 =	sne.s32 s29, $0xC600;
	v14 =	vld [tilespmem:s28+$0xB870];
	v4 =	vadd.f32 v6, v4  }
0x6b: {  	v15 =	vld [tilespmem:s28+$0xB800];
	v5 =	vadd.f32 v8, v5  }
0x6c: {  	v16 =	vld [tilespmem:s28+$0xB810];
	v10 =	vadd.f32 v7, v10  }
.Ltmp2:
0x6d: {  	v6 =	vld [tilespmem:s28+$0xB820];
	v11 =	vadd.f32 v12, v11;
	(pc) =	sbr.rel @p1 .LBB2_8-.Ltmp2, $4  }
0x6e: {  	v8 =	vld [tilespmem:s28+$0xB830];
	v9 =	vadd.f32 v13, v9  }
0x6f: {  	v7 =	vld [tilespmem:s28+$0xB840];
	v2 =	vadd.f32 v14, v2  }
0x70: {  	v1 =	vadd.f32 v15, v1;
	v12 =	vld [tilespmem:s28+$0xB850]  }
0x71: {  	v3 =	vadd.f32 v16, v3;
	v13 =	vld [tilespmem:s28+$0xB860];
	s28 =	sshra.s32 s29, $0x2;
	s29 =	sadd.s32 $0x200, s29  }
0x72: {  	v14 =	vld [tilespmem:s28+$0xB870]  }
0x73: {  	v15 =	vld [tilespmem:s28+$0xB800]  }
0x74: {  	v16 =	vld [tilespmem:s28+$0xB810]  }
0x75: {  	v17 =	vld [tilespmem:s28+$0xB820]  }
0x76: {  	v18 =	vld [tilespmem:s28+$0xB830]  }
0x77: {  	v19 =	vld [tilespmem:s28+$0xB840]  }
0x78: {  	v20 =	vld [tilespmem:s28+$0xB850]  }
0x79: {  	v21 =	vld [tilespmem:s28+$0xB860];
	s28 =	sadd.s32 @!p0 $0x300, s25;
	s29 =	simm.s32 @!p0 $0x64;
	s30 =	simm.s32 @!p0 $0xB800  }
0x7a: {  	[tilespmem:s30], [sflag:$0x3] =	stream.indirect.gather @!p0 [hbm4b:s2+s29], $0x80, s28, s29, $0xb8;
	[tilespmem:$0x12000] =	vst v63  }
0x7b: {  	_ =	swait.ge [sflag:s19], $0x3200  }
0x7c: {  	[sflag:s19] =	ssyncset.done $0x0  }
0x7d: {  	s31 =	simm.s32 $0x0;
	[sflag:s19] =	ssyncadd.s32 $0xFFFFCE00  }
0x7e: {  	v4 =	vadd.f32 v6, v4;
	v5 =	vadd.f32 v8, v5;
	v8 =	vld [tilespmem:s31+$0xEC70]  }
0x7f: {  	v7 =	vadd.f32 v7, v10;
	v11 =	vadd.f32 v12, v11;
	v12 =	vld [tilespmem:s31+$0xEC00]  }
0x80: {  	v13 =	vadd.f32 v13, v9;
	v14 =	vadd.f32 v14, v2;
	v22 =	vld [tilespmem:s31+$0xEC10]  }
0x81: {  	v15 =	vadd.f32 v15, v1;
	v16 =	vadd.f32 v16, v3;
	v9 =	vld [tilespmem:s31+$0xEC20]  }
0x82: {  	v6 =	vadd.f32 v17, v4;
	v5 =	vadd.f32 v18, v5;
	v10 =	vld [tilespmem:s31+$0xEC30]  }
0x83: {  	v4 =	vadd.f32 v19, v7;
	v3 =	vadd.f32 v20, v11;
	v11 =	vld [tilespmem:s31+$0xEC40]  }
0x84: {  	v7 =	vld [tilespmem:s31+$0xEC50];
	v2 =	vadd.f32 v21, v13;
	v1 =	vadd.f32 v8, v14  }
0x85: {  	s28 =	simm.s32 $0x80;
	s29 =	simm.s32 $0x400;
	v12 =	vadd.f32 v12, v15;
	v13 =	vadd.f32 v22, v16;
	v8 =	vld [tilespmem:s31+$0xEC60]  }
.LBB2_10:
0x86: {  	p1 =	sne.s32 s29, $0xC600;
	v14 =	vld [tilespmem:s28+$0xEC70];
	v6 =	vadd.f32 v9, v6  }
0x87: {  	v15 =	vld [tilespmem:s28+$0xEC00];
	v5 =	vadd.f32 v10, v5  }
0x88: {  	v16 =	vld [tilespmem:s28+$0xEC10];
	v4 =	vadd.f32 v11, v4  }
.Ltmp3:
0x89: {  	v9 =	vld [tilespmem:s28+$0xEC20];
	v3 =	vadd.f32 v7, v3;
	(pc) =	sbr.rel @p1 .LBB2_10-.Ltmp3, $4  }
0x8a: {  	v10 =	vld [tilespmem:s28+$0xEC30];
	v2 =	vadd.f32 v8, v2  }
0x8b: {  	v11 =	vld [tilespmem:s28+$0xEC40];
	v1 =	vadd.f32 v14, v1  }
0x8c: {  	v12 =	vadd.f32 v15, v12;
	v7 =	vld [tilespmem:s28+$0xEC50]  }
0x8d: {  	v13 =	vadd.f32 v16, v13;
	v8 =	vld [tilespmem:s28+$0xEC60];
	s28 =	sshra.s32 s29, $0x2;
	s29 =	sadd.s32 $0x200, s29  }
0x8e: {  	v14 =	vld [tilespmem:s28+$0xEC00]  }
0x8f: {  	v15 =	vld [tilespmem:s28+$0xEC10]  }
0x90: {  	v16 =	vld [tilespmem:s28+$0xEC20]  }
0x91: {  	v17 =	vld [tilespmem:s28+$0xEC30]  }
0x92: {  	v18 =	vld [tilespmem:s28+$0xEC40]  }
0x93: {  	v6 =	vadd.f32 v9, v6;
	v59 =	vld [tilespmem:s28+$0xEC50];
	v58 =	vadd.f32 v14, v12  }
0x94: {  	v62 =	vld [tilespmem:s28+$0xEC70];
	v5 =	vadd.f32 v10, v5;
	v60 =	vadd.f32 v15, v13  }
0x95: {  	v61 =	vld [tilespmem:s28+$0xEC60];
	s25 =	sadd.s32 @!p0 $0x380, s25;
	s28 =	simm.s32 @!p0 $0x64;
	s29 =	simm.s32 @!p0 $0xEC00;
	v4 =	vadd.f32 v11, v4;
	v6 =	vadd.f32 v16, v6;
	v9 =	vmul.f32 $4.999999890e-03, v58  }
0x96: {  	[tilespmem:s29], [sflag:$0x4] =	stream.indirect.gather @!p0 [hbm4b:s2+s28], $0x80, s25, s28, $0xb8;
	v3 =	vadd.f32 v7, v3;
	v5 =	vadd.f32 v17, v5;
	v63 =	vmul.f32 $4.999999890e-03, v60;
	[tilespmem:$0x12000] =	vst v63  }
0x97: {  	v4 =	vadd.f32 v18, v4;
	v6 =	vmul.f32 $4.999999890e-03, v6;
	[tilespmem:s26+$0x80] =	vst v9  }
0x98: {  	s23 =	sadd.s32 $0x1, s23;
	v2 =	vadd.f32 v8, v2;
	v3 =	vadd.f32 v59, v3;
	v5 =	vmul.f32 $4.999999890e-03, v5;
	[tilespmem:s26+$0x90] =	vst v63  }
0x99: {  	p0 =	sne.s32 s23, $0x8;
	v1 =	vadd.f32 v62, v1;
	v4 =	vmul.f32 $4.999999890e-03, v4;
	[tilespmem:s26+$0xA0] =	vst v6  }
.Ltmp4:
0x9a: {  	v2 =	vadd.f32 v61, v2;
	v3 =	vmul.f32 $4.999999890e-03, v3;
	[tilespmem:s26+$0xB0] =	vst v5;
	(pc) =	sbr.rel @p0 .LBB2_3-.Ltmp4, $4  }
0x9b: {  	v1 =	vmul.f32 $4.999999890e-03, v1;
	[tilespmem:s26+$0xC0] =	vst v4  }
0x9c: {  	v2 =	vmul.f32 $4.999999890e-03, v2;
	[tilespmem:s26+$0xD0] =	vst v3  }
0x9d: {  	[tilespmem:s26+$0xF0] =	vst v1  }
0x9e: {  	[tilespmem:s26+$0xE0] =	vst v2  }
0x9f: {  	s22 =	sadd.s32 $0x1, s22  }
0xa0: {  	p0 =	sne.s32 s22, $0x8  }
.Ltmp5:
0xa1: {  	_ = 	snop;
	(pc) =	sbr.rel @p0 .LBB2_2-.Ltmp5, $1  }
0xa2: {  	_ =	sdelay $0x3  }
0xa3: {  	s21 =	sadd.s32 $0x1, s21  }
0xa4: {  	p0 =	sne.s32 s21, s6  }
.Ltmp6:
0xa5: {  	_ = 	snop;
	(pc) =	sbr.rel @p0 .LBB2_1-.Ltmp6, $4  }
0xa6: {  	[hbm4b:s5+s3] =	stream.linear.scatter [tilespmem:s20], [sflag:$0x5], $0x4000, $0x38;
	[tilespmem:$0x12000] =	vst v63  }
0xa7: {  	_ =	swait.ge [sflag:s7], $0x4000  }
0xa8: {  	[sflag:s7] =	ssyncset.done $0x0  }
0xa9: {  	[sflag:s7] =	ssyncadd.s32 $0xFFFFC000  }
0xaa: {  	_ =	sfence.sel $0x180000  }
0xab: {  	[bflag:$0x0] =	sbarrier.arrive $0xFFFF  }
0xac: {  	p0 =	sne.s32 s1, $0x0;
	_ =	strace $0x90000047  }
0xad: {  	s0 =	sadd.s32 @!p0 $0x100000, s0;
	[bflag:$0x2] =	sbarrier.arrive $0xFFFF  }
0xae: {  	[sflag:s0] =	ssyncadd.tile.s32 @!p0 $0x1;
	_ =	shalt  }
.Lfunc_end2:
_tile_overlayer_lowered:
.L_overlay_start_2:
0xaf: {  	(tag) =	ssettag $0x2  }
0xb0: {  	s0 =	rddreg [dreg:$0x0];
	s2 =	stileid.u32  }
0xb1: {  	s1 =	rddreg [dreg:$0x1];
	p0 =	sne.s32 s2, $0x0  }
0xb2: {  	s3 =	rddreg [dreg:$0x2];
	[bflag:$0x3] =	sbarrier.arrive $0xFFFF;
	s2 =	simm.s32 @!p0 $0x1C05  }
0xb3: {  	[timem:s3], [sflag:s2] =	dma.local @!p0 [hbm:s0], s1  }
0xb4: {  	s0 =	simm.s32 @!p0 $0x5  }
0xb5: {  	_ =	swait.ge @!p0 [sflag:s0], s1  }
0xb6: {  	s1 =	ssub.s32 @!p0 $0x0, s1;
	[sflag:s0] =	ssyncset.done @!p0 $0x0  }
0xb7: {  	[sflag:s0] =	ssyncadd.s32 @!p0 s1  }
0xb8: {  	[bflag:$0x3] =	sbarrier.arrive $0xFFFF  }
0xb9: {  	_ =	shalt  }

</sc_bundles>
